<compile_context>
chip_gen: v7x
topology: tpu7x:2x2x1
jax: 0.10.2.dev20260603
libtpu: 0.0.44.dev20260713+nightly
codegen_flags: <defaults>
</compile_context>

<pallas_src>
import functools

import jax
import jax.numpy as jnp
from jax import lax
from jax.experimental import pallas as pl
from jax.experimental.pallas import tpu as pltpu
from jax.experimental.pallas import tpu_sc as plsc

N_NODES = 10000
N_EDGES = 160000
D = 128

NC, NS = 2, 16
NW = NC * NS
CH = 128
NCHUNK = N_EDGES // CH
CPW = -(-NCHUNK // NW)
RPT = 640
RPT_LAST = N_NODES - (NS - 1) * RPT




def _edge_mlp_body(e_ref, ps_ref, qd_ref, w1_ref, w2_ref, pr_ref, o_ref):
    e = e_ref[...]
    h = jnp.dot(e, w1_ref[...], preferred_element_type=jnp.float32)
    h = h + ps_ref[...] + qd_ref[...] + pr_ref[0, :][None, :]
    h = h * jax.nn.sigmoid(h)
    h = jnp.dot(h, w2_ref[...], preferred_element_type=jnp.float32)
    h = h + pr_ref[1, :][None, :]
    mu = jnp.mean(h, axis=-1, keepdims=True)
    var = jnp.mean((h - mu) ** 2, axis=-1, keepdims=True)
    h = (h - mu) * lax.rsqrt(var + 1e-5)
    o_ref[...] = h * pr_ref[2, :][None, :] + pr_ref[3, :][None, :] + e


def _edge_mlp(e, ps, qd, w1a, w2, params, block=2000):
    grid = (N_EDGES // block,)
    row = pl.BlockSpec((block, D), lambda i: (i, 0))
    full = lambda shape: pl.BlockSpec(shape, lambda i: (0,) * len(shape))
    return pl.pallas_call(
        _edge_mlp_body,
        grid=grid,
        in_specs=[row, row, row, full((D, D)), full((D, D)), full((4, D))],
        out_specs=row,
        out_shape=jax.ShapeDtypeStruct((N_EDGES, D), jnp.float32),
    )(e, ps, qd, w1a, w2, params)


def _node_mlp_body(x_ref, a0_ref, a1_ref, w1x_ref, w1a_ref, w2_ref, pr_ref,
                   o_ref):
    x = x_ref[...]
    a = a0_ref[...] + a1_ref[...]
    h = (jnp.dot(x, w1x_ref[...], preferred_element_type=jnp.float32)
         + jnp.dot(a, w1a_ref[...], preferred_element_type=jnp.float32)
         + pr_ref[0, :][None, :])
    h = h * jax.nn.sigmoid(h)
    h = jnp.dot(h, w2_ref[...], preferred_element_type=jnp.float32)
    h = h + pr_ref[1, :][None, :]
    mu = jnp.mean(h, axis=-1, keepdims=True)
    var = jnp.mean((h - mu) ** 2, axis=-1, keepdims=True)
    h = (h - mu) * lax.rsqrt(var + 1e-5)
    o_ref[...] = h * pr_ref[2, :][None, :] + pr_ref[3, :][None, :] + x


def _node_mlp(x, a0, a1, w1x, w1a, w2, params, block=2000):
    grid = (N_NODES // block,)
    row = pl.BlockSpec((block, D), lambda i: (i, 0))
    full = lambda shape: pl.BlockSpec(shape, lambda i: (0,) * len(shape))
    return pl.pallas_call(
        _node_mlp_body,
        grid=grid,
        in_specs=[row, row, row, full((D, D)), full((D, D)), full((D, D)),
                  full((4, D))],
        out_specs=row,
        out_shape=jax.ShapeDtypeStruct((N_NODES, D), jnp.float32),
    )(x, a0, a1, w1x, w1a, w2, params)


def _pq_body(x_ref, w_ref, p_ref, q_ref):
    h = jnp.dot(x_ref[...], w_ref[...], preferred_element_type=jnp.float32)
    p_ref[...] = h[:, :D]
    q_ref[...] = h[:, D:]


def _pq(x, w1bc, block=2000):
    grid = (N_NODES // block,)
    row = pl.BlockSpec((block, D), lambda i: (i, 0))
    return pl.pallas_call(
        _pq_body,
        grid=grid,
        in_specs=[row, pl.BlockSpec((D, 2 * D), lambda i: (0, 0))],
        out_specs=[row, row],
        out_shape=[jax.ShapeDtypeStruct((N_NODES, D), jnp.float32),
                   jax.ShapeDtypeStruct((N_NODES, D), jnp.float32)],
    )(x, w1bc)



def _gather_body(p_hbm, q_hbm, src_hbm, dst_hbm, ops_hbm, oqd_hbm,
                 idx_s, idx_d, bufp, bufq, semp, semq):
    c = lax.axis_index("c")
    s = lax.axis_index("s")
    wid = c * NS + s

    def body(j, carry):
        cid = wid + j * NW

        @pl.when(cid < NCHUNK)
        def _():
            pltpu.sync_copy(src_hbm.at[pl.ds(cid * CH, CH)], idx_s)
            pltpu.sync_copy(dst_hbm.at[pl.ds(cid * CH, CH)], idx_d)
            cp = pltpu.async_copy(p_hbm.at[idx_s], bufp, semp)
            cq = pltpu.async_copy(q_hbm.at[idx_d], bufq, semq)
            cp.wait()
            cq.wait()
            off = cid * CH
            pltpu.sync_copy(bufp, ops_hbm.at[pl.ds(off, CH)])
            pltpu.sync_copy(bufq, oqd_hbm.at[pl.ds(off, CH)])

        return carry

    lax.fori_loop(0, CPW, body, 0)


def _scatter_kernel_body(e_hbm, dst_hbm, zero_hbm, out_hbm, acc_sh, idx_v,
                         rows_v):
    c = lax.axis_index("c")
    s = lax.axis_index("s")
    wid = c * NS + s

    @pl.when(s < NS - 1)
    def _():
        pltpu.sync_copy(zero_hbm.at[pl.ds(s * RPT, RPT)],
                        acc_sh.at[pl.ds(s * RPT, RPT)])

    @pl.when(s == NS - 1)
    def _():
        pltpu.sync_copy(zero_hbm.at[pl.ds((NS - 1) * RPT, RPT_LAST)],
                        acc_sh.at[pl.ds((NS - 1) * RPT, RPT_LAST)])

    plsc.subcore_barrier()

    def body(j, carry):
        cid = wid + j * NW

        @pl.when(cid < NCHUNK)
        def _():
            pltpu.sync_copy(dst_hbm.at[pl.ds(cid * CH, CH)], idx_v)
            pltpu.sync_copy(e_hbm.at[pl.ds(cid * CH, CH)], rows_v)
            pltpu.sync_copy(rows_v, acc_sh.at[idx_v], add=True)

        return carry

    lax.fori_loop(0, CPW, body, 0)
    plsc.subcore_barrier()

    @pl.when(s < NS - 1)
    def _():
        pltpu.sync_copy(acc_sh.at[pl.ds(s * RPT, RPT)],
                        out_hbm.at[c, pl.ds(s * RPT, RPT)])

    @pl.when(s == NS - 1)
    def _():
        pltpu.sync_copy(acc_sh.at[pl.ds((NS - 1) * RPT, RPT_LAST)],
                        out_hbm.at[c, pl.ds((NS - 1) * RPT, RPT_LAST)])


@functools.lru_cache(maxsize=None)
def _sc_kernels():
    mesh = plsc.VectorSubcoreMesh(core_axis_name="c", subcore_axis_name="s")
    gather = pl.kernel(
        _gather_body,
        out_type=(jax.ShapeDtypeStruct((N_EDGES, D), jnp.float32),
                  jax.ShapeDtypeStruct((N_EDGES, D), jnp.float32)),
        mesh=mesh,
        scratch_types=[
            pltpu.VMEM((CH,), jnp.int32),
            pltpu.VMEM((CH,), jnp.int32),
            pltpu.VMEM((CH, D), jnp.float32),
            pltpu.VMEM((CH, D), jnp.float32),
            pltpu.SemaphoreType.DMA,
            pltpu.SemaphoreType.DMA,
        ],
    )
    scatter = pl.kernel(
        _scatter_kernel_body,
        out_type=jax.ShapeDtypeStruct((NC, N_NODES, D), jnp.float32),
        mesh=mesh,
        scratch_types=[
            pltpu.VMEM_SHARED((N_NODES, D), jnp.float32),
            pltpu.VMEM((CH,), jnp.int32),
            pltpu.VMEM((CH, D), jnp.float32),
        ],
    )
    return gather, scatter



def kernel(node_features, edge_features, edge_index, We1, be1, We2, be2, ge,
           bge, Wn1, bn1, Wn2, bn2, gn, bgn):
    x = node_features
    e = edge_features
    src1 = edge_index[0]
    dst1 = edge_index[1]
    zeros_nd = jnp.zeros((N_NODES, D), jnp.float32)
    for i in range(We1.shape[0]):
        w1a = We1[i, :D]
        w1bc = jnp.concatenate([We1[i, D:2 * D], We1[i, 2 * D:]], axis=1)
        sc_gather, sc_scatter = _sc_kernels()
        p, q = _pq(x, w1bc)
        ps, qd = sc_gather(p, q, src1, dst1)
        eparams = jnp.stack([be1[i], be2[i], ge[i], bge[i]])
        e = _edge_mlp(e, ps, qd, w1a, We2[i], eparams)
        agg2 = sc_scatter(e, dst1, zeros_nd)
        nparams = jnp.stack([bn1[i], bn2[i], gn[i], bgn[i]])
        x = _node_mlp(x, agg2[0], agg2[1], Wn1[i, :D], Wn1[i, D:], Wn2[i],
                      nparams)
    return x

# --- scband reference (transcript-rebuilt; emitter-appended) ---
"""Pipeline reference for scband-graph-cast-net-ns-24507083391116 (READ-ONLY COPY).

The authoritative reference and input builder live on the scoring server;
editing this copy changes nothing except your own understanding.
"""

import jax, jax.numpy as jnp
import numpy as np

N, E, D, L = 10000, 160000, 128, 2


def _mlp(x, W1, b1, W2, b2, g, b):
    h = jnp.dot(x, W1) + b1
    h = jax.nn.silu(h)
    h = jnp.dot(h, W2) + b2
    mu = jnp.mean(h, axis=-1, keepdims=True)
    var = jnp.var(h, axis=-1, keepdims=True)
    h = (h - mu) * jax.lax.rsqrt(var + 1e-5)
    return h * g + b


def setup_inputs(seed: int = 0) -> dict:
    key = jax.random.key(seed)
    ks = jax.random.split(key, 16)
    node_features = jax.random.normal(ks[0], (N, D), dtype=jnp.float32)
    edge_features = jax.random.normal(ks[1], (E, D), dtype=jnp.float32)
    edge_index = jax.random.randint(ks[2], (2, E), 0, N, dtype=jnp.int32)
    s = 0.05
    We1 = jax.random.normal(ks[3], (L, 3 * D, D), dtype=jnp.float32) * s
    be1 = jnp.zeros((L, D), jnp.float32)
    We2 = jax.random.normal(ks[4], (L, D, D), dtype=jnp.float32) * s
    be2 = jnp.zeros((L, D), jnp.float32)
    ge = jnp.ones((L, D), jnp.float32)
    bge = jnp.zeros((L, D), jnp.float32)
    Wn1 = jax.random.normal(ks[5], (L, 2 * D, D), dtype=jnp.float32) * s
    bn1 = jnp.zeros((L, D), jnp.float32)
    Wn2 = jax.random.normal(ks[6], (L, D, D), dtype=jnp.float32) * s
    bn2 = jnp.zeros((L, D), jnp.float32)
    gn = jnp.ones((L, D), jnp.float32)
    bgn = jnp.zeros((L, D), jnp.float32)
    return {"node_features": node_features, "edge_features": edge_features, "edge_index": edge_index,
            "We1": We1, "be1": be1, "We2": We2, "be2": be2, "ge": ge, "bge": bge,
            "Wn1": Wn1, "bn1": bn1, "Wn2": Wn2, "bn2": bn2, "gn": gn, "bgn": bgn}


def reference(node_features, edge_features, edge_index, We1, be1, We2, be2, ge, bge, Wn1, bn1, Wn2, bn2, gn, bgn):
    # GraphCast-style MeshGraphNet processor: interleaved edge blocks and node blocks
    # with residual connections, 2-layer SiLU MLPs and LayerNorm, sum aggregation.
    src = edge_index[0]
    dst = edge_index[1]
    x = node_features
    e = edge_features
    n = x.shape[0]
    for i in range(We1.shape[0]):
        # MeshEdgeBlock: e' = MLP([e, x_src, x_dst]) + e
        cat_e = jnp.concatenate([e, jnp.take(x, src, axis=0), jnp.take(x, dst, axis=0)], axis=-1)
        e = _mlp(cat_e, We1[i], be1[i], We2[i], be2[i], ge[i], bge[i]) + e
        # MeshNodeBlock: x' = MLP([x, sum_agg(e', dst)]) + x
        agg = jnp.zeros((n, e.shape[-1]), e.dtype).at[dst].add(e)
        cat_n = jnp.concatenate([x, agg], axis=-1)
        x = _mlp(cat_n, Wn1[i], bn1[i], Wn2[i], bn2[i], gn[i], bgn[i]) + x
    return x

if __name__ == "__main__":
    import jax
    _d = setup_inputs()
    print(jax.jit(kernel)(*tuple(_d.values())))

</pallas_src>

<mosaic_0001>
#map = affine_map<(d0, d1) -> (0, 0)>
#map1 = affine_map<(d0, d1) -> (0)>
#map2 = affine_map<(d0, d1) -> (0, 0, 0)>
module attributes {stable_mosaic.version = 14 : i64} {
  func.func @_scatter_kernel_body(%arg0: i32, %arg1: i32, %arg2: memref<160000x128xf32, #tpu.memory_space<hbm>>, %arg3: memref<160000xi32, #tpu.memory_space<hbm>>, %arg4: memref<10000x128xf32, #tpu.memory_space<hbm>>, %arg5: memref<2x10000x128xf32, #tpu.memory_space<hbm>>, %arg6: memref<10000x128xf32, #tpu.memory_space<vmem_shared>>, %arg7: memref<128xi32, #tpu.memory_space<vmem>>, %arg8: memref<128x128xf32, #tpu.memory_space<vmem>>) attributes {dimension_semantics = [#tpu.dimension_semantics<core_parallel>, #tpu.dimension_semantics<subcore_parallel>], iteration_bounds = array<i64: 2, 16>, scalar_prefetch = 0 : i64, scratch_operands = 3 : i64, tpu.core_type = #tpu.core_type<sc_vector_subcore>, window_params = [{transform_indices = #map}, {transform_indices = #map1}, {transform_indices = #map}, {transform_indices = #map2}]} {
    %mul3A = arith.constant 16 : i32
    %mul3A_0 = arith.muli %arg0, %mul3A : i32
    %add3A = arith.addi %mul3A_0, %arg1 : i32
    %lt3A = arith.constant 15 : i32
    %lt3A_1 = arith.cmpi slt, %arg1, %lt3A : i32
    %convert_element_type3A = arith.extui %lt3A_1 : i1 to i32
    %cond3A = arith.constant 0 : i32
    %cond3A_2 = arith.cmpi ne, %convert_element_type3A, %cond3A : i32
    scf.if %cond3A_2 {
      %mul3A_23 = arith.constant 640 : i32
      %mul3A_24 = arith.muli %arg1, %mul3A_23 : i32
      %mul3A_25 = arith.constant 640 : i32
      %mul3A_26 = arith.muli %arg1, %mul3A_25 : i32
      "tpu.region"() ({
        %run_scoped3A = tpu.sem_alloc : memref<!tpu.dma_semaphore, #tpu.memory_space<semaphore_mem>>
        %dma_start3A = arith.constant 0 : i32
        %dma_start3A_27 = tpu.memref_slice %arg6[%mul3A_26, %dma_start3A] : memref<10000x128xf32, #tpu.memory_space<vmem_shared>> -> memref<640x128xf32, #tpu.memory_space<vmem_shared>>
        %dma_start3A_28 = arith.constant 0 : i32
        %dma_start3A_29 = tpu.memref_slice %arg4[%mul3A_24, %dma_start3A_28] : memref<10000x128xf32, #tpu.memory_space<hbm>> -> memref<640x128xf32, #tpu.memory_space<hbm>>
        tpu.enqueue_dma source(%dma_start3A_29 : memref<640x128xf32, #tpu.memory_space<hbm>>) target(%dma_start3A_27 : memref<640x128xf32, #tpu.memory_space<vmem_shared>>) target_semaphore(%run_scoped3A : memref<!tpu.dma_semaphore, #tpu.memory_space<semaphore_mem>>)
        %dma_wait3A = arith.constant 0 : i32
        %dma_wait3A_30 = tpu.memref_slice %arg6[%mul3A_26, %dma_wait3A] : memref<10000x128xf32, #tpu.memory_space<vmem_shared>> -> memref<640x128xf32, #tpu.memory_space<vmem_shared>>
        %dma_wait3A_31 = arith.constant 0 : i32
        %dma_wait3A_32 = tpu.memref_slice %arg4[%mul3A_24, %dma_wait3A_31] : memref<10000x128xf32, #tpu.memory_space<hbm>> -> memref<640x128xf32, #tpu.memory_space<hbm>>
        tpu.wait_dma2 semaphore(%run_scoped3A : memref<!tpu.dma_semaphore, #tpu.memory_space<semaphore_mem>>) src(%dma_wait3A_32 : memref<640x128xf32, #tpu.memory_space<hbm>>) dst(%dma_wait3A_30 : memref<640x128xf32, #tpu.memory_space<vmem_shared>>)
        tpu.yield
      }) : () -> ()
    } else {
    }
    %eq3A = arith.constant 15 : i32
    %eq3A_3 = arith.cmpi eq, %arg1, %eq3A : i32
    %convert_element_type3A_4 = arith.extui %eq3A_3 : i1 to i32
    %cond3A_5 = arith.constant 0 : i32
    %cond3A_6 = arith.cmpi ne, %convert_element_type3A_4, %cond3A_5 : i32
    scf.if %cond3A_6 {
      "tpu.region"() ({
        %run_scoped3A = tpu.sem_alloc : memref<!tpu.dma_semaphore, #tpu.memory_space<semaphore_mem>>
        %dma_start3A = arith.constant 9600 : i32
        %dma_start3A_23 = arith.constant 0 : i32
        %dma_start3A_24 = tpu.memref_slice %arg6[%dma_start3A, %dma_start3A_23] : memref<10000x128xf32, #tpu.memory_space<vmem_shared>> -> memref<400x128xf32, #tpu.memory_space<vmem_shared>>
        %dma_start3A_25 = arith.constant 9600 : i32
        %dma_start3A_26 = arith.constant 0 : i32
        %dma_start3A_27 = tpu.memref_slice %arg4[%dma_start3A_25, %dma_start3A_26] : memref<10000x128xf32, #tpu.memory_space<hbm>> -> memref<400x128xf32, #tpu.memory_space<hbm>>
        tpu.enqueue_dma source(%dma_start3A_27 : memref<400x128xf32, #tpu.memory_space<hbm>>) target(%dma_start3A_24 : memref<400x128xf32, #tpu.memory_space<vmem_shared>>) target_semaphore(%run_scoped3A : memref<!tpu.dma_semaphore, #tpu.memory_space<semaphore_mem>>)
        %dma_wait3A = arith.constant 9600 : i32
        %dma_wait3A_28 = arith.constant 0 : i32
        %dma_wait3A_29 = tpu.memref_slice %arg6[%dma_wait3A, %dma_wait3A_28] : memref<10000x128xf32, #tpu.memory_space<vmem_shared>> -> memref<400x128xf32, #tpu.memory_space<vmem_shared>>
        %dma_wait3A_30 = arith.constant 9600 : i32
        %dma_wait3A_31 = arith.constant 0 : i32
        %dma_wait3A_32 = tpu.memref_slice %arg4[%dma_wait3A_30, %dma_wait3A_31] : memref<10000x128xf32, #tpu.memory_space<hbm>> -> memref<400x128xf32, #tpu.memory_space<hbm>>
        tpu.wait_dma2 semaphore(%run_scoped3A : memref<!tpu.dma_semaphore, #tpu.memory_space<semaphore_mem>>) src(%dma_wait3A_32 : memref<400x128xf32, #tpu.memory_space<hbm>>) dst(%dma_wait3A_29 : memref<400x128xf32, #tpu.memory_space<vmem_shared>>)
        tpu.yield
      }) : () -> ()
    } else {
    }
    %barrier3A = arith.constant 0 : index
    tpu.barrier barrier_id(%barrier3A)
    %scan3A = arith.constant 0 : i32
    %scan3A_7 = arith.constant 0 : i32
    %scan3A_8 = arith.constant 40 : i32
    %scan3A_9 = arith.addi %scan3A_7, %scan3A_8 : i32
    %scan3A_10 = arith.constant 1 : i32
    scf.for %scan3A_23 = %scan3A_7 to %scan3A_9 step %scan3A_10  : i32 {
      %mul3A_24 = arith.constant 32 : i32
      %mul3A_25 = arith.muli %scan3A_23, %mul3A_24 : i32
      %add3A_26 = arith.addi %add3A, %mul3A_25 : i32
      %lt3A_27 = arith.constant 1250 : i32
      %lt3A_28 = arith.cmpi slt, %add3A_26, %lt3A_27 : i32
      %convert_element_type3A_29 = arith.extui %lt3A_28 : i1 to i32
      %cond3A_30 = arith.constant 0 : i32
      %cond3A_31 = arith.cmpi ne, %convert_element_type3A_29, %cond3A_30 : i32
      scf.if %cond3A_31 {
        %mul3A_32 = arith.constant 128 : i32
        %mul3A_33 = arith.muli %add3A_26, %mul3A_32 : i32
        "tpu.region"() ({
          %run_scoped3A = tpu.sem_alloc : memref<!tpu.dma_semaphore, #tpu.memory_space<semaphore_mem>>
          %dma_start3A = tpu.memref_slice %arg3[%mul3A_33] : memref<160000xi32, #tpu.memory_space<hbm>> -> memref<128xi32, #tpu.memory_space<hbm>>
          %dma_start3A_36 = tpu.memref_slice %arg3[%mul3A_33] : memref<160000xi32, #tpu.memory_space<hbm>> -> memref<128xi32, #tpu.memory_space<hbm>>
          tpu.enqueue_dma source(%dma_start3A_36 : memref<128xi32, #tpu.memory_space<hbm>>) target(%arg7 : memref<128xi32, #tpu.memory_space<vmem>>) target_semaphore(%run_scoped3A : memref<!tpu.dma_semaphore, #tpu.memory_space<semaphore_mem>>)
          %dma_wait3A = tpu.memref_slice %arg3[%mul3A_33] : memref<160000xi32, #tpu.memory_space<hbm>> -> memref<128xi32, #tpu.memory_space<hbm>>
          %dma_wait3A_37 = tpu.memref_slice %arg3[%mul3A_33] : memref<160000xi32, #tpu.memory_space<hbm>> -> memref<128xi32, #tpu.memory_space<hbm>>
          tpu.wait_dma2 semaphore(%run_scoped3A : memref<!tpu.dma_semaphore, #tpu.memory_space<semaphore_mem>>) src(%dma_wait3A_37 : memref<128xi32, #tpu.memory_space<hbm>>) dst(%arg7 : memref<128xi32, #tpu.memory_space<vmem>>)
          tpu.yield
        }) : () -> ()
        %mul3A_34 = arith.constant 128 : i32
        %mul3A_35 = arith.muli %add3A_26, %mul3A_34 : i32
        "tpu.region"() ({
          %run_scoped3A = tpu.sem_alloc : memref<!tpu.dma_semaphore, #tpu.memory_space<semaphore_mem>>
          %dma_start3A = arith.constant 0 : i32
          %dma_start3A_36 = tpu.memref_slice %arg2[%mul3A_35, %dma_start3A] : memref<160000x128xf32, #tpu.memory_space<hbm>> -> memref<128x128xf32, #tpu.memory_space<hbm>>
          %dma_start3A_37 = arith.constant 0 : i32
          %dma_start3A_38 = tpu.memref_slice %arg2[%mul3A_35, %dma_start3A_37] : memref<160000x128xf32, #tpu.memory_space<hbm>> -> memref<128x128xf32, #tpu.memory_space<hbm>>
          tpu.enqueue_dma source(%dma_start3A_38 : memref<128x128xf32, #tpu.memory_space<hbm>>) target(%arg8 : memref<128x128xf32, #tpu.memory_space<vmem>>) target_semaphore(%run_scoped3A : memref<!tpu.dma_semaphore, #tpu.memory_space<semaphore_mem>>)
          %dma_wait3A = arith.constant 0 : i32
          %dma_wait3A_39 = tpu.memref_slice %arg2[%mul3A_35, %dma_wait3A] : memref<160000x128xf32, #tpu.memory_space<hbm>> -> memref<128x128xf32, #tpu.memory_space<hbm>>
          %dma_wait3A_40 = arith.constant 0 : i32
          %dma_wait3A_41 = tpu.memref_slice %arg2[%mul3A_35, %dma_wait3A_40] : memref<160000x128xf32, #tpu.memory_space<hbm>> -> memref<128x128xf32, #tpu.memory_space<hbm>>
          tpu.wait_dma2 semaphore(%run_scoped3A : memref<!tpu.dma_semaphore, #tpu.memory_space<semaphore_mem>>) src(%dma_wait3A_41 : memref<128x128xf32, #tpu.memory_space<hbm>>) dst(%arg8 : memref<128x128xf32, #tpu.memory_space<vmem>>)
          tpu.yield
        }) : () -> ()
        "tpu.region"() ({
          %run_scoped3A = tpu.sem_alloc : memref<!tpu.dma_semaphore, #tpu.memory_space<semaphore_mem>>
          %dma_start3A = arith.constant 0 : i32
          %dma_start3A_36 = arith.constant 0 : i32
          %dma_start3A_37 = tpu.memref_slice %arg6[%dma_start3A, %dma_start3A_36] : memref<10000x128xf32, #tpu.memory_space<vmem_shared>> -> memref<10000x128xf32, #tpu.memory_space<vmem_shared>>
          tpu.enqueue_indirect_dma source(%arg8 : memref<128x128xf32, #tpu.memory_space<vmem>>) target(%dma_start3A_37 : memref<10000x128xf32, #tpu.memory_space<vmem_shared>>) offsets(%arg7 : memref<128xi32, #tpu.memory_space<vmem>>) semaphore(%run_scoped3A : memref<!tpu.dma_semaphore, #tpu.memory_space<semaphore_mem>>) {add = true}
          %dma_wait3A = arith.constant 0 : i32
          %dma_wait3A_38 = arith.constant 0 : i32
          %dma_wait3A_39 = tpu.memref_slice %arg6[%dma_wait3A, %dma_wait3A_38] : memref<10000x128xf32, #tpu.memory_space<vmem_shared>> -> memref<10000x128xf32, #tpu.memory_space<vmem_shared>>
          tpu.wait_indirect_dma semaphore(%run_scoped3A : memref<!tpu.dma_semaphore, #tpu.memory_space<semaphore_mem>>) src(%arg8 : memref<128x128xf32, #tpu.memory_space<vmem>>) dst(%dma_wait3A_39 : memref<10000x128xf32, #tpu.memory_space<vmem_shared>>)
          tpu.yield
        }) : () -> ()
      } else {
      }
    }
    %scan3A_11 = arith.constant 40 : i32
    %barrier3A_12 = arith.constant 0 : index
    tpu.barrier barrier_id(%barrier3A_12)
    %lt3A_13 = arith.constant 15 : i32
    %lt3A_14 = arith.cmpi slt, %arg1, %lt3A_13 : i32
    %convert_element_type3A_15 = arith.extui %lt3A_14 : i1 to i32
    %cond3A_16 = arith.constant 0 : i32
    %cond3A_17 = arith.cmpi ne, %convert_element_type3A_15, %cond3A_16 : i32
    scf.if %cond3A_17 {
      %mul3A_23 = arith.constant 640 : i32
      %mul3A_24 = arith.muli %arg1, %mul3A_23 : i32
      %mul3A_25 = arith.constant 640 : i32
      %mul3A_26 = arith.muli %arg1, %mul3A_25 : i32
      "tpu.region"() ({
        %run_scoped3A = tpu.sem_alloc : memref<!tpu.dma_semaphore, #tpu.memory_space<semaphore_mem>>
        %dma_start3A = arith.constant 0 : i32
        %dma_start3A_27 = tpu.memref_slice %arg5[%arg0, %mul3A_26, %dma_start3A] : memref<2x10000x128xf32, #tpu.memory_space<hbm>> -> memref<1x640x128xf32, #tpu.memory_space<hbm>>
        %dma_start3A_28 = tpu.memref_squeeze %dma_start3A_27 : memref<1x640x128xf32, #tpu.memory_space<hbm>> -> memref<640x128xf32, #tpu.memory_space<hbm>>
        %dma_start3A_29 = arith.constant 0 : i32
        %dma_start3A_30 = tpu.memref_slice %arg6[%mul3A_24, %dma_start3A_29] : memref<10000x128xf32, #tpu.memory_space<vmem_shared>> -> memref<640x128xf32, #tpu.memory_space<vmem_shared>>
        tpu.enqueue_dma source(%dma_start3A_30 : memref<640x128xf32, #tpu.memory_space<vmem_shared>>) target(%dma_start3A_28 : memref<640x128xf32, #tpu.memory_space<hbm>>) target_semaphore(%run_scoped3A : memref<!tpu.dma_semaphore, #tpu.memory_space<semaphore_mem>>)
        %dma_wait3A = arith.constant 0 : i32
        %dma_wait3A_31 = tpu.memref_slice %arg5[%arg0, %mul3A_26, %dma_wait3A] : memref<2x10000x128xf32, #tpu.memory_space<hbm>> -> memref<1x640x128xf32, #tpu.memory_space<hbm>>
        %dma_wait3A_32 = tpu.memref_squeeze %dma_wait3A_31 : memref<1x640x128xf32, #tpu.memory_space<hbm>> -> memref<640x128xf32, #tpu.memory_space<hbm>>
        %dma_wait3A_33 = arith.constant 0 : i32
        %dma_wait3A_34 = tpu.memref_slice %arg6[%mul3A_24, %dma_wait3A_33] : memref<10000x128xf32, #tpu.memory_space<vmem_shared>> -> memref<640x128xf32, #tpu.memory_space<vmem_shared>>
        tpu.wait_dma2 semaphore(%run_scoped3A : memref<!tpu.dma_semaphore, #tpu.memory_space<semaphore_mem>>) src(%dma_wait3A_34 : memref<640x128xf32, #tpu.memory_space<vmem_shared>>) dst(%dma_wait3A_32 : memref<640x128xf32, #tpu.memory_space<hbm>>)
        tpu.yield
      }) : () -> ()
    } else {
    }
    %eq3A_18 = arith.constant 15 : i32
    %eq3A_19 = arith.cmpi eq, %arg1, %eq3A_18 : i32
    %convert_element_type3A_20 = arith.extui %eq3A_19 : i1 to i32
    %cond3A_21 = arith.constant 0 : i32
    %cond3A_22 = arith.cmpi ne, %convert_element_type3A_20, %cond3A_21 : i32
    scf.if %cond3A_22 {
      "tpu.region"() ({
        %run_scoped3A = tpu.sem_alloc : memref<!tpu.dma_semaphore, #tpu.memory_space<semaphore_mem>>
        %dma_start3A = arith.constant 9600 : i32
        %dma_start3A_23 = arith.constant 0 : i32
        %dma_start3A_24 = tpu.memref_slice %arg5[%arg0, %dma_start3A, %dma_start3A_23] : memref<2x10000x128xf32, #tpu.memory_space<hbm>> -> memref<1x400x128xf32, #tpu.memory_space<hbm>>
        %dma_start3A_25 = tpu.memref_squeeze %dma_start3A_24 : memref<1x400x128xf32, #tpu.memory_space<hbm>> -> memref<400x128xf32, #tpu.memory_space<hbm>>
        %dma_start3A_26 = arith.constant 9600 : i32
        %dma_start3A_27 = arith.constant 0 : i32
        %dma_start3A_28 = tpu.memref_slice %arg6[%dma_start3A_26, %dma_start3A_27] : memref<10000x128xf32, #tpu.memory_space<vmem_shared>> -> memref<400x128xf32, #tpu.memory_space<vmem_shared>>
        tpu.enqueue_dma source(%dma_start3A_28 : memref<400x128xf32, #tpu.memory_space<vmem_shared>>) target(%dma_start3A_25 : memref<400x128xf32, #tpu.memory_space<hbm>>) target_semaphore(%run_scoped3A : memref<!tpu.dma_semaphore, #tpu.memory_space<semaphore_mem>>)
        %dma_wait3A = arith.constant 9600 : i32
        %dma_wait3A_29 = arith.constant 0 : i32
        %dma_wait3A_30 = tpu.memref_slice %arg5[%arg0, %dma_wait3A, %dma_wait3A_29] : memref<2x10000x128xf32, #tpu.memory_space<hbm>> -> memref<1x400x128xf32, #tpu.memory_space<hbm>>
        %dma_wait3A_31 = tpu.memref_squeeze %dma_wait3A_30 : memref<1x400x128xf32, #tpu.memory_space<hbm>> -> memref<400x128xf32, #tpu.memory_space<hbm>>
        %dma_wait3A_32 = arith.constant 9600 : i32
        %dma_wait3A_33 = arith.constant 0 : i32
        %dma_wait3A_34 = tpu.memref_slice %arg6[%dma_wait3A_32, %dma_wait3A_33] : memref<10000x128xf32, #tpu.memory_space<vmem_shared>> -> memref<400x128xf32, #tpu.memory_space<vmem_shared>>
        tpu.wait_dma2 semaphore(%run_scoped3A : memref<!tpu.dma_semaphore, #tpu.memory_space<semaphore_mem>>) src(%dma_wait3A_34 : memref<400x128xf32, #tpu.memory_space<vmem_shared>>) dst(%dma_wait3A_31 : memref<400x128xf32, #tpu.memory_space<hbm>>)
        tpu.yield
      }) : () -> ()
    } else {
    }
    return
  }
}

#map = affine_map<(d0, d1) -> (0, 0)>
#map1 = affine_map<(d0, d1) -> (0)>
#map2 = affine_map<(d0, d1) -> (0, 0, 0)>
module attributes {stable_mosaic.version = 14 : i64} {
  func.func @_scatter_kernel_body(%arg0: i32, %arg1: i32, %arg2: memref<160000x128xf32, #tpu.memory_space<hbm>>, %arg3: memref<160000xi32, #tpu.memory_space<hbm>>, %arg4: memref<10000x128xf32, #tpu.memory_space<hbm>>, %arg5: memref<2x10000x128xf32, #tpu.memory_space<hbm>>, %arg6: memref<10000x128xf32, #tpu.memory_space<vmem_shared>>, %arg7: memref<128xi32, #tpu.memory_space<vmem>>, %arg8: memref<128x128xf32, #tpu.memory_space<vmem>>) attributes {dimension_semantics = [#tpu.dimension_semantics<core_parallel>, #tpu.dimension_semantics<subcore_parallel>], iteration_bounds = array<i64: 2, 16>, scalar_prefetch = 0 : i64, scratch_operands = 3 : i64, tpu.core_type = #tpu.core_type<sc_vector_subcore>, window_params = [{transform_indices = #map}, {transform_indices = #map1}, {transform_indices = #map}, {transform_indices = #map2}]} {
    %mul3A = arith.constant 16 : i32
    %mul3A_0 = arith.muli %arg0, %mul3A : i32
    %add3A = arith.addi %mul3A_0, %arg1 : i32
    %lt3A = arith.constant 15 : i32
    %lt3A_1 = arith.cmpi slt, %arg1, %lt3A : i32
    %convert_element_type3A = arith.extui %lt3A_1 : i1 to i32
    %cond3A = arith.constant 0 : i32
    %cond3A_2 = arith.cmpi ne, %convert_element_type3A, %cond3A : i32
    scf.if %cond3A_2 {
      %mul3A_23 = arith.constant 640 : i32
      %mul3A_24 = arith.muli %arg1, %mul3A_23 : i32
      %mul3A_25 = arith.constant 640 : i32
      %mul3A_26 = arith.muli %arg1, %mul3A_25 : i32
      "tpu.region"() ({
        %run_scoped3A = tpu.sem_alloc : memref<!tpu.dma_semaphore, #tpu.memory_space<semaphore_mem>>
        %dma_start3A = arith.constant 0 : i32
        %dma_start3A_27 = tpu.memref_slice %arg6[%mul3A_26, %dma_start3A] : memref<10000x128xf32, #tpu.memory_space<vmem_shared>> -> memref<640x128xf32, #tpu.memory_space<vmem_shared>>
        %dma_start3A_28 = arith.constant 0 : i32
        %dma_start3A_29 = tpu.memref_slice %arg4[%mul3A_24, %dma_start3A_28] : memref<10000x128xf32, #tpu.memory_space<hbm>> -> memref<640x128xf32, #tpu.memory_space<hbm>>
        tpu.enqueue_dma source(%dma_start3A_29 : memref<640x128xf32, #tpu.memory_space<hbm>>) target(%dma_start3A_27 : memref<640x128xf32, #tpu.memory_space<vmem_shared>>) target_semaphore(%run_scoped3A : memref<!tpu.dma_semaphore, #tpu.memory_space<semaphore_mem>>)
        %dma_wait3A = arith.constant 0 : i32
        %dma_wait3A_30 = tpu.memref_slice %arg6[%mul3A_26, %dma_wait3A] : memref<10000x128xf32, #tpu.memory_space<vmem_shared>> -> memref<640x128xf32, #tpu.memory_space<vmem_shared>>
        %dma_wait3A_31 = arith.constant 0 : i32
        %dma_wait3A_32 = tpu.memref_slice %arg4[%mul3A_24, %dma_wait3A_31] : memref<10000x128xf32, #tpu.memory_space<hbm>> -> memref<640x128xf32, #tpu.memory_space<hbm>>
        tpu.wait_dma2 semaphore(%run_scoped3A : memref<!tpu.dma_semaphore, #tpu.memory_space<semaphore_mem>>) src(%dma_wait3A_32 : memref<640x128xf32, #tpu.memory_space<hbm>>) dst(%dma_wait3A_30 : memref<640x128xf32, #tpu.memory_space<vmem_shared>>)
        tpu.yield
      }) : () -> ()
    } else {
    }
    %eq3A = arith.constant 15 : i32
    %eq3A_3 = arith.cmpi eq, %arg1, %eq3A : i32
    %convert_element_type3A_4 = arith.extui %eq3A_3 : i1 to i32
    %cond3A_5 = arith.constant 0 : i32
    %cond3A_6 = arith.cmpi ne, %convert_element_type3A_4, %cond3A_5 : i32
    scf.if %cond3A_6 {
      "tpu.region"() ({
        %run_scoped3A = tpu.sem_alloc : memref<!tpu.dma_semaphore, #tpu.memory_space<semaphore_mem>>
        %dma_start3A = arith.constant 9600 : i32
        %dma_start3A_23 = arith.constant 0 : i32
        %dma_start3A_24 = tpu.memref_slice %arg6[%dma_start3A, %dma_start3A_23] : memref<10000x128xf32, #tpu.memory_space<vmem_shared>> -> memref<400x128xf32, #tpu.memory_space<vmem_shared>>
        %dma_start3A_25 = arith.constant 9600 : i32
        %dma_start3A_26 = arith.constant 0 : i32
        %dma_start3A_27 = tpu.memref_slice %arg4[%dma_start3A_25, %dma_start3A_26] : memref<10000x128xf32, #tpu.memory_space<hbm>> -> memref<400x128xf32, #tpu.memory_space<hbm>>
        tpu.enqueue_dma source(%dma_start3A_27 : memref<400x128xf32, #tpu.memory_space<hbm>>) target(%dma_start3A_24 : memref<400x128xf32, #tpu.memory_space<vmem_shared>>) target_semaphore(%run_scoped3A : memref<!tpu.dma_semaphore, #tpu.memory_space<semaphore_mem>>)
        %dma_wait3A = arith.constant 9600 : i32
        %dma_wait3A_28 = arith.constant 0 : i32
        %dma_wait3A_29 = tpu.memref_slice %arg6[%dma_wait3A, %dma_wait3A_28] : memref<10000x128xf32, #tpu.memory_space<vmem_shared>> -> memref<400x128xf32, #tpu.memory_space<vmem_shared>>
        %dma_wait3A_30 = arith.constant 9600 : i32
        %dma_wait3A_31 = arith.constant 0 : i32
        %dma_wait3A_32 = tpu.memref_slice %arg4[%dma_wait3A_30, %dma_wait3A_31] : memref<10000x128xf32, #tpu.memory_space<hbm>> -> memref<400x128xf32, #tpu.memory_space<hbm>>
        tpu.wait_dma2 semaphore(%run_scoped3A : memref<!tpu.dma_semaphore, #tpu.memory_space<semaphore_mem>>) src(%dma_wait3A_32 : memref<400x128xf32, #tpu.memory_space<hbm>>) dst(%dma_wait3A_29 : memref<400x128xf32, #tpu.memory_space<vmem_shared>>)
        tpu.yield
      }) : () -> ()
    } else {
    }
    %barrier3A = arith.constant 0 : index
    tpu.barrier barrier_id(%barrier3A)
    %scan3A = arith.constant 0 : i32
    %scan3A_7 = arith.constant 0 : i32
    %scan3A_8 = arith.constant 40 : i32
    %scan3A_9 = arith.addi %scan3A_7, %scan3A_8 : i32
    %scan3A_10 = arith.constant 1 : i32
    scf.for %scan3A_23 = %scan3A_7 to %scan3A_9 step %scan3A_10  : i32 {
      %mul3A_24 = arith.constant 32 : i32
      %mul3A_25 = arith.muli %scan3A_23, %mul3A_24 : i32
      %add3A_26 = arith.addi %add3A, %mul3A_25 : i32
      %lt3A_27 = arith.constant 1250 : i32
      %lt3A_28 = arith.cmpi slt, %add3A_26, %lt3A_27 : i32
      %convert_element_type3A_29 = arith.extui %lt3A_28 : i1 to i32
      %cond3A_30 = arith.constant 0 : i32
      %cond3A_31 = arith.cmpi ne, %convert_element_type3A_29, %cond3A_30 : i32
      scf.if %cond3A_31 {
        %mul3A_32 = arith.constant 128 : i32
        %mul3A_33 = arith.muli %add3A_26, %mul3A_32 : i32
        "tpu.region"() ({
          %run_scoped3A = tpu.sem_alloc : memref<!tpu.dma_semaphore, #tpu.memory_space<semaphore_mem>>
          %dma_start3A = tpu.memref_slice %arg3[%mul3A_33] : memref<160000xi32, #tpu.memory_space<hbm>> -> memref<128xi32, #tpu.memory_space<hbm>>
          %dma_start3A_36 = tpu.memref_slice %arg3[%mul3A_33] : memref<160000xi32, #tpu.memory_space<hbm>> -> memref<128xi32, #tpu.memory_space<hbm>>
          tpu.enqueue_dma source(%dma_start3A_36 : memref<128xi32, #tpu.memory_space<hbm>>) target(%arg7 : memref<128xi32, #tpu.memory_space<vmem>>) target_semaphore(%run_scoped3A : memref<!tpu.dma_semaphore, #tpu.memory_space<semaphore_mem>>)
          %dma_wait3A = tpu.memref_slice %arg3[%mul3A_33] : memref<160000xi32, #tpu.memory_space<hbm>> -> memref<128xi32, #tpu.memory_space<hbm>>
          %dma_wait3A_37 = tpu.memref_slice %arg3[%mul3A_33] : memref<160000xi32, #tpu.memory_space<hbm>> -> memref<128xi32, #tpu.memory_space<hbm>>
          tpu.wait_dma2 semaphore(%run_scoped3A : memref<!tpu.dma_semaphore, #tpu.memory_space<semaphore_mem>>) src(%dma_wait3A_37 : memref<128xi32, #tpu.memory_space<hbm>>) dst(%arg7 : memref<128xi32, #tpu.memory_space<vmem>>)
          tpu.yield
        }) : () -> ()
        %mul3A_34 = arith.constant 128 : i32
        %mul3A_35 = arith.muli %add3A_26, %mul3A_34 : i32
        "tpu.region"() ({
          %run_scoped3A = tpu.sem_alloc : memref<!tpu.dma_semaphore, #tpu.memory_space<semaphore_mem>>
          %dma_start3A = arith.constant 0 : i32
          %dma_start3A_36 = tpu.memref_slice %arg2[%mul3A_35, %dma_start3A] : memref<160000x128xf32, #tpu.memory_space<hbm>> -> memref<128x128xf32, #tpu.memory_space<hbm>>
          %dma_start3A_37 = arith.constant 0 : i32
          %dma_start3A_38 = tpu.memref_slice %arg2[%mul3A_35, %dma_start3A_37] : memref<160000x128xf32, #tpu.memory_space<hbm>> -> memref<128x128xf32, #tpu.memory_space<hbm>>
          tpu.enqueue_dma source(%dma_start3A_38 : memref<128x128xf32, #tpu.memory_space<hbm>>) target(%arg8 : memref<128x128xf32, #tpu.memory_space<vmem>>) target_semaphore(%run_scoped3A : memref<!tpu.dma_semaphore, #tpu.memory_space<semaphore_mem>>)
          %dma_wait3A = arith.constant 0 : i32
          %dma_wait3A_39 = tpu.memref_slice %arg2[%mul3A_35, %dma_wait3A] : memref<160000x128xf32, #tpu.memory_space<hbm>> -> memref<128x128xf32, #tpu.memory_space<hbm>>
          %dma_wait3A_40 = arith.constant 0 : i32
          %dma_wait3A_41 = tpu.memref_slice %arg2[%mul3A_35, %dma_wait3A_40] : memref<160000x128xf32, #tpu.memory_space<hbm>> -> memref<128x128xf32, #tpu.memory_space<hbm>>
          tpu.wait_dma2 semaphore(%run_scoped3A : memref<!tpu.dma_semaphore, #tpu.memory_space<semaphore_mem>>) src(%dma_wait3A_41 : memref<128x128xf32, #tpu.memory_space<hbm>>) dst(%arg8 : memref<128x128xf32, #tpu.memory_space<vmem>>)
          tpu.yield
        }) : () -> ()
        "tpu.region"() ({
          %run_scoped3A = tpu.sem_alloc : memref<!tpu.dma_semaphore, #tpu.memory_space<semaphore_mem>>
          %dma_start3A = arith.constant 0 : i32
          %dma_start3A_36 = arith.constant 0 : i32
          %dma_start3A_37 = tpu.memref_slice %arg6[%dma_start3A, %dma_start3A_36] : memref<10000x128xf32, #tpu.memory_space<vmem_shared>> -> memref<10000x128xf32, #tpu.memory_space<vmem_shared>>
          tpu.enqueue_indirect_dma source(%arg8 : memref<128x128xf32, #tpu.memory_space<vmem>>) target(%dma_start3A_37 : memref<10000x128xf32, #tpu.memory_space<vmem_shared>>) offsets(%arg7 : memref<128xi32, #tpu.memory_space<vmem>>) semaphore(%run_scoped3A : memref<!tpu.dma_semaphore, #tpu.memory_space<semaphore_mem>>) {add = true}
          %dma_wait3A = arith.constant 0 : i32
          %dma_wait3A_38 = arith.constant 0 : i32
          %dma_wait3A_39 = tpu.memref_slice %arg6[%dma_wait3A, %dma_wait3A_38] : memref<10000x128xf32, #tpu.memory_space<vmem_shared>> -> memref<10000x128xf32, #tpu.memory_space<vmem_shared>>
          tpu.wait_indirect_dma semaphore(%run_scoped3A : memref<!tpu.dma_semaphore, #tpu.memory_space<semaphore_mem>>) src(%arg8 : memref<128x128xf32, #tpu.memory_space<vmem>>) dst(%dma_wait3A_39 : memref<10000x128xf32, #tpu.memory_space<vmem_shared>>)
          tpu.yield
        }) : () -> ()
      } else {
      }
    }
    %scan3A_11 = arith.constant 40 : i32
    %barrier3A_12 = arith.constant 0 : index
    tpu.barrier barrier_id(%barrier3A_12)
    %lt3A_13 = arith.constant 15 : i32
    %lt3A_14 = arith.cmpi slt, %arg1, %lt3A_13 : i32
    %convert_element_type3A_15 = arith.extui %lt3A_14 : i1 to i32
    %cond3A_16 = arith.constant 0 : i32
    %cond3A_17 = arith.cmpi ne, %convert_element_type3A_15, %cond3A_16 : i32
    scf.if %cond3A_17 {
      %mul3A_23 = arith.constant 640 : i32
      %mul3A_24 = arith.muli %arg1, %mul3A_23 : i32
      %mul3A_25 = arith.constant 640 : i32
      %mul3A_26 = arith.muli %arg1, %mul3A_25 : i32
      "tpu.region"() ({
        %run_scoped3A = tpu.sem_alloc : memref<!tpu.dma_semaphore, #tpu.memory_space<semaphore_mem>>
        %dma_start3A = arith.constant 0 : i32
        %dma_start3A_27 = tpu.memref_slice %arg5[%arg0, %mul3A_26, %dma_start3A] : memref<2x10000x128xf32, #tpu.memory_space<hbm>> -> memref<1x640x128xf32, #tpu.memory_space<hbm>>
        %dma_start3A_28 = tpu.memref_squeeze %dma_start3A_27 : memref<1x640x128xf32, #tpu.memory_space<hbm>> -> memref<640x128xf32, #tpu.memory_space<hbm>>
        %dma_start3A_29 = arith.constant 0 : i32
        %dma_start3A_30 = tpu.memref_slice %arg6[%mul3A_24, %dma_start3A_29] : memref<10000x128xf32, #tpu.memory_space<vmem_shared>> -> memref<640x128xf32, #tpu.memory_space<vmem_shared>>
        tpu.enqueue_dma source(%dma_start3A_30 : memref<640x128xf32, #tpu.memory_space<vmem_shared>>) target(%dma_start3A_28 : memref<640x128xf32, #tpu.memory_space<hbm>>) target_semaphore(%run_scoped3A : memref<!tpu.dma_semaphore, #tpu.memory_space<semaphore_mem>>)
        %dma_wait3A = arith.constant 0 : i32
        %dma_wait3A_31 = tpu.memref_slice %arg5[%arg0, %mul3A_26, %dma_wait3A] : memref<2x10000x128xf32, #tpu.memory_space<hbm>> -> memref<1x640x128xf32, #tpu.memory_space<hbm>>
        %dma_wait3A_32 = tpu.memref_squeeze %dma_wait3A_31 : memref<1x640x128xf32, #tpu.memory_space<hbm>> -> memref<640x128xf32, #tpu.memory_space<hbm>>
        %dma_wait3A_33 = arith.constant 0 : i32
        %dma_wait3A_34 = tpu.memref_slice %arg6[%mul3A_24, %dma_wait3A_33] : memref<10000x128xf32, #tpu.memory_space<vmem_shared>> -> memref<640x128xf32, #tpu.memory_space<vmem_shared>>
        tpu.wait_dma2 semaphore(%run_scoped3A : memref<!tpu.dma_semaphore, #tpu.memory_space<semaphore_mem>>) src(%dma_wait3A_34 : memref<640x128xf32, #tpu.memory_space<vmem_shared>>) dst(%dma_wait3A_32 : memref<640x128xf32, #tpu.memory_space<hbm>>)
        tpu.yield
      }) : () -> ()
    } else {
    }
    %eq3A_18 = arith.constant 15 : i32
    %eq3A_19 = arith.cmpi eq, %arg1, %eq3A_18 : i32
    %convert_element_type3A_20 = arith.extui %eq3A_19 : i1 to i32
    %cond3A_21 = arith.constant 0 : i32
    %cond3A_22 = arith.cmpi ne, %convert_element_type3A_20, %cond3A_21 : i32
    scf.if %cond3A_22 {
      "tpu.region"() ({
        %run_scoped3A = tpu.sem_alloc : memref<!tpu.dma_semaphore, #tpu.memory_space<semaphore_mem>>
        %dma_start3A = arith.constant 9600 : i32
        %dma_start3A_23 = arith.constant 0 : i32
        %dma_start3A_24 = tpu.memref_slice %arg5[%arg0, %dma_start3A, %dma_start3A_23] : memref<2x10000x128xf32, #tpu.memory_space<hbm>> -> memref<1x400x128xf32, #tpu.memory_space<hbm>>
        %dma_start3A_25 = tpu.memref_squeeze %dma_start3A_24 : memref<1x400x128xf32, #tpu.memory_space<hbm>> -> memref<400x128xf32, #tpu.memory_space<hbm>>
        %dma_start3A_26 = arith.constant 9600 : i32
        %dma_start3A_27 = arith.constant 0 : i32
        %dma_start3A_28 = tpu.memref_slice %arg6[%dma_start3A_26, %dma_start3A_27] : memref<10000x128xf32, #tpu.memory_space<vmem_shared>> -> memref<400x128xf32, #tpu.memory_space<vmem_shared>>
        tpu.enqueue_dma source(%dma_start3A_28 : memref<400x128xf32, #tpu.memory_space<vmem_shared>>) target(%dma_start3A_25 : memref<400x128xf32, #tpu.memory_space<hbm>>) target_semaphore(%run_scoped3A : memref<!tpu.dma_semaphore, #tpu.memory_space<semaphore_mem>>)
        %dma_wait3A = arith.constant 9600 : i32
        %dma_wait3A_29 = arith.constant 0 : i32
        %dma_wait3A_30 = tpu.memref_slice %arg5[%arg0, %dma_wait3A, %dma_wait3A_29] : memref<2x10000x128xf32, #tpu.memory_space<hbm>> -> memref<1x400x128xf32, #tpu.memory_space<hbm>>
        %dma_wait3A_31 = tpu.memref_squeeze %dma_wait3A_30 : memref<1x400x128xf32, #tpu.memory_space<hbm>> -> memref<400x128xf32, #tpu.memory_space<hbm>>
        %dma_wait3A_32 = arith.constant 9600 : i32
        %dma_wait3A_33 = arith.constant 0 : i32
        %dma_wait3A_34 = tpu.memref_slice %arg6[%dma_wait3A_32, %dma_wait3A_33] : memref<10000x128xf32, #tpu.memory_space<vmem_shared>> -> memref<400x128xf32, #tpu.memory_space<vmem_shared>>
        tpu.wait_dma2 semaphore(%run_scoped3A : memref<!tpu.dma_semaphore, #tpu.memory_space<semaphore_mem>>) src(%dma_wait3A_34 : memref<400x128xf32, #tpu.memory_space<vmem_shared>>) dst(%dma_wait3A_31 : memref<400x128xf32, #tpu.memory_space<hbm>>)
        tpu.yield
      }) : () -> ()
    } else {
    }
    return
  }
}

#map = affine_map<(d0, d1) -> (0, 0)>
#map1 = affine_map<(d0, d1) -> (0)>
module attributes {stable_mosaic.version = 14 : i64} {
  func.func @_gather_body(%arg0: i32, %arg1: i32, %arg2: memref<10000x128xf32, #tpu.memory_space<hbm>>, %arg3: memref<10000x128xf32, #tpu.memory_space<hbm>>, %arg4: memref<160000xi32, #tpu.memory_space<hbm>>, %arg5: memref<160000xi32, #tpu.memory_space<hbm>>, %arg6: memref<160000x128xf32, #tpu.memory_space<hbm>>, %arg7: memref<160000x128xf32, #tpu.memory_space<hbm>>, %arg8: memref<128xi32, #tpu.memory_space<vmem>>, %arg9: memref<128xi32, #tpu.memory_space<vmem>>, %arg10: memref<128x128xf32, #tpu.memory_space<vmem>>, %arg11: memref<128x128xf32, #tpu.memory_space<vmem>>, %arg12: memref<!tpu.dma_semaphore, #tpu.memory_space<semaphore_mem>>, %arg13: memref<!tpu.dma_semaphore, #tpu.memory_space<semaphore_mem>>) attributes {dimension_semantics = [#tpu.dimension_semantics<core_parallel>, #tpu.dimension_semantics<subcore_parallel>], iteration_bounds = array<i64: 2, 16>, scalar_prefetch = 0 : i64, scratch_operands = 6 : i64, tpu.core_type = #tpu.core_type<sc_vector_subcore>, window_params = [{transform_indices = #map}, {transform_indices = #map}, {transform_indices = #map1}, {transform_indices = #map1}, {transform_indices = #map}, {transform_indices = #map}]} {
    %mul3A = arith.constant 16 : i32
    %mul3A_0 = arith.muli %arg0, %mul3A : i32
    %add3A = arith.addi %mul3A_0, %arg1 : i32
    %scan3A = arith.constant 0 : i32
    %scan3A_1 = arith.constant 0 : i32
    %scan3A_2 = arith.constant 40 : i32
    %scan3A_3 = arith.addi %scan3A_1, %scan3A_2 : i32
    %scan3A_4 = arith.constant 1 : i32
    scf.for %scan3A_6 = %scan3A_1 to %scan3A_3 step %scan3A_4  : i32 {
      %mul3A_7 = arith.constant 32 : i32
      %mul3A_8 = arith.muli %scan3A_6, %mul3A_7 : i32
      %add3A_9 = arith.addi %add3A, %mul3A_8 : i32
      %lt3A = arith.constant 1250 : i32
      %lt3A_10 = arith.cmpi slt, %add3A_9, %lt3A : i32
      %convert_element_type3A = arith.extui %lt3A_10 : i1 to i32
      %cond3A = arith.constant 0 : i32
      %cond3A_11 = arith.cmpi ne, %convert_element_type3A, %cond3A : i32
      scf.if %cond3A_11 {
        %mul3A_12 = arith.constant 128 : i32
        %mul3A_13 = arith.muli %add3A_9, %mul3A_12 : i32
        "tpu.region"() ({
          %run_scoped3A = tpu.sem_alloc : memref<!tpu.dma_semaphore, #tpu.memory_space<semaphore_mem>>
          %dma_start3A_28 = tpu.memref_slice %arg4[%mul3A_13] : memref<160000xi32, #tpu.memory_space<hbm>> -> memref<128xi32, #tpu.memory_space<hbm>>
          %dma_start3A_29 = tpu.memref_slice %arg4[%mul3A_13] : memref<160000xi32, #tpu.memory_space<hbm>> -> memref<128xi32, #tpu.memory_space<hbm>>
          tpu.enqueue_dma source(%dma_start3A_29 : memref<128xi32, #tpu.memory_space<hbm>>) target(%arg8 : memref<128xi32, #tpu.memory_space<vmem>>) target_semaphore(%run_scoped3A : memref<!tpu.dma_semaphore, #tpu.memory_space<semaphore_mem>>)
          %dma_wait3A_30 = tpu.memref_slice %arg4[%mul3A_13] : memref<160000xi32, #tpu.memory_space<hbm>> -> memref<128xi32, #tpu.memory_space<hbm>>
          %dma_wait3A_31 = tpu.memref_slice %arg4[%mul3A_13] : memref<160000xi32, #tpu.memory_space<hbm>> -> memref<128xi32, #tpu.memory_space<hbm>>
          tpu.wait_dma2 semaphore(%run_scoped3A : memref<!tpu.dma_semaphore, #tpu.memory_space<semaphore_mem>>) src(%dma_wait3A_31 : memref<128xi32, #tpu.memory_space<hbm>>) dst(%arg8 : memref<128xi32, #tpu.memory_space<vmem>>)
          tpu.yield
        }) : () -> ()
        %mul3A_14 = arith.constant 128 : i32
        %mul3A_15 = arith.muli %add3A_9, %mul3A_14 : i32
        "tpu.region"() ({
          %run_scoped3A = tpu.sem_alloc : memref<!tpu.dma_semaphore, #tpu.memory_space<semaphore_mem>>
          %dma_start3A_28 = tpu.memref_slice %arg5[%mul3A_15] : memref<160000xi32, #tpu.memory_space<hbm>> -> memref<128xi32, #tpu.memory_space<hbm>>
          %dma_start3A_29 = tpu.memref_slice %arg5[%mul3A_15] : memref<160000xi32, #tpu.memory_space<hbm>> -> memref<128xi32, #tpu.memory_space<hbm>>
          tpu.enqueue_dma source(%dma_start3A_29 : memref<128xi32, #tpu.memory_space<hbm>>) target(%arg9 : memref<128xi32, #tpu.memory_space<vmem>>) target_semaphore(%run_scoped3A : memref<!tpu.dma_semaphore, #tpu.memory_space<semaphore_mem>>)
          %dma_wait3A_30 = tpu.memref_slice %arg5[%mul3A_15] : memref<160000xi32, #tpu.memory_space<hbm>> -> memref<128xi32, #tpu.memory_space<hbm>>
          %dma_wait3A_31 = tpu.memref_slice %arg5[%mul3A_15] : memref<160000xi32, #tpu.memory_space<hbm>> -> memref<128xi32, #tpu.memory_space<hbm>>
          tpu.wait_dma2 semaphore(%run_scoped3A : memref<!tpu.dma_semaphore, #tpu.memory_space<semaphore_mem>>) src(%dma_wait3A_31 : memref<128xi32, #tpu.memory_space<hbm>>) dst(%arg9 : memref<128xi32, #tpu.memory_space<vmem>>)
          tpu.yield
        }) : () -> ()
        %dma_start3A = arith.constant 0 : i32
        %dma_start3A_16 = arith.constant 0 : i32
        %dma_start3A_17 = tpu.memref_slice %arg2[%dma_start3A, %dma_start3A_16] : memref<10000x128xf32, #tpu.memory_space<hbm>> -> memref<10000x128xf32, #tpu.memory_space<hbm>>
        tpu.enqueue_indirect_dma source(%dma_start3A_17 : memref<10000x128xf32, #tpu.memory_space<hbm>>) target(%arg10 : memref<128x128xf32, #tpu.memory_space<vmem>>) offsets(%arg8 : memref<128xi32, #tpu.memory_space<vmem>>) semaphore(%arg12 : memref<!tpu.dma_semaphore, #tpu.memory_space<semaphore_mem>>)
        %dma_start3A_18 = arith.constant 0 : i32
        %dma_start3A_19 = arith.constant 0 : i32
        %dma_start3A_20 = tpu.memref_slice %arg3[%dma_start3A_18, %dma_start3A_19] : memref<10000x128xf32, #tpu.memory_space<hbm>> -> memref<10000x128xf32, #tpu.memory_space<hbm>>
        tpu.enqueue_indirect_dma source(%dma_start3A_20 : memref<10000x128xf32, #tpu.memory_space<hbm>>) target(%arg11 : memref<128x128xf32, #tpu.memory_space<vmem>>) offsets(%arg9 : memref<128xi32, #tpu.memory_space<vmem>>) semaphore(%arg13 : memref<!tpu.dma_semaphore, #tpu.memory_space<semaphore_mem>>)
        %dma_wait3A = arith.constant 0 : i32
        %dma_wait3A_21 = arith.constant 0 : i32
        %dma_wait3A_22 = tpu.memref_slice %arg2[%dma_wait3A, %dma_wait3A_21] : memref<10000x128xf32, #tpu.memory_space<hbm>> -> memref<10000x128xf32, #tpu.memory_space<hbm>>
        tpu.wait_indirect_dma semaphore(%arg12 : memref<!tpu.dma_semaphore, #tpu.memory_space<semaphore_mem>>) src(%dma_wait3A_22 : memref<10000x128xf32, #tpu.memory_space<hbm>>) dst(%arg10 : memref<128x128xf32, #tpu.memory_space<vmem>>)
        %dma_wait3A_23 = arith.constant 0 : i32
        %dma_wait3A_24 = arith.constant 0 : i32
        %dma_wait3A_25 = tpu.memref_slice %arg3[%dma_wait3A_23, %dma_wait3A_24] : memref<10000x128xf32, #tpu.memory_space<hbm>> -> memref<10000x128xf32, #tpu.memory_space<hbm>>
        tpu.wait_indirect_dma semaphore(%arg13 : memref<!tpu.dma_semaphore, #tpu.memory_space<semaphore_mem>>) src(%dma_wait3A_25 : memref<10000x128xf32, #tpu.memory_space<hbm>>) dst(%arg11 : memref<128x128xf32, #tpu.memory_space<vmem>>)
        %mul3A_26 = arith.constant 128 : i32
        %mul3A_27 = arith.muli %add3A_9, %mul3A_26 : i32
        "tpu.region"() ({
          %run_scoped3A = tpu.sem_alloc : memref<!tpu.dma_semaphore, #tpu.memory_space<semaphore_mem>>
          %dma_start3A_28 = arith.constant 0 : i32
          %dma_start3A_29 = tpu.memref_slice %arg6[%mul3A_27, %dma_start3A_28] : memref<160000x128xf32, #tpu.memory_space<hbm>> -> memref<128x128xf32, #tpu.memory_space<hbm>>
          %dma_start3A_30 = arith.constant 0 : i32
          %dma_start3A_31 = tpu.memref_slice %arg6[%mul3A_27, %dma_start3A_30] : memref<160000x128xf32, #tpu.memory_space<hbm>> -> memref<128x128xf32, #tpu.memory_space<hbm>>
          tpu.enqueue_dma source(%arg10 : memref<128x128xf32, #tpu.memory_space<vmem>>) target(%dma_start3A_31 : memref<128x128xf32, #tpu.memory_space<hbm>>) target_semaphore(%run_scoped3A : memref<!tpu.dma_semaphore, #tpu.memory_space<semaphore_mem>>)
          %dma_wait3A_32 = arith.constant 0 : i32
          %dma_wait3A_33 = tpu.memref_slice %arg6[%mul3A_27, %dma_wait3A_32] : memref<160000x128xf32, #tpu.memory_space<hbm>> -> memref<128x128xf32, #tpu.memory_space<hbm>>
          %dma_wait3A_34 = arith.constant 0 : i32
          %dma_wait3A_35 = tpu.memref_slice %arg6[%mul3A_27, %dma_wait3A_34] : memref<160000x128xf32, #tpu.memory_space<hbm>> -> memref<128x128xf32, #tpu.memory_space<hbm>>
          tpu.wait_dma2 semaphore(%run_scoped3A : memref<!tpu.dma_semaphore, #tpu.memory_space<semaphore_mem>>) src(%arg10 : memref<128x128xf32, #tpu.memory_space<vmem>>) dst(%dma_wait3A_35 : memref<128x128xf32, #tpu.memory_space<hbm>>)
          tpu.yield
        }) : () -> ()
        "tpu.region"() ({
          %run_scoped3A = tpu.sem_alloc : memref<!tpu.dma_semaphore, #tpu.memory_space<semaphore_mem>>
          %dma_start3A_28 = arith.constant 0 : i32
          %dma_start3A_29 = tpu.memref_slice %arg7[%mul3A_27, %dma_start3A_28] : memref<160000x128xf32, #tpu.memory_space<hbm>> -> memref<128x128xf32, #tpu.memory_space<hbm>>
          %dma_start3A_30 = arith.constant 0 : i32
          %dma_start3A_31 = tpu.memref_slice %arg7[%mul3A_27, %dma_start3A_30] : memref<160000x128xf32, #tpu.memory_space<hbm>> -> memref<128x128xf32, #tpu.memory_space<hbm>>
          tpu.enqueue_dma source(%arg11 : memref<128x128xf32, #tpu.memory_space<vmem>>) target(%dma_start3A_31 : memref<128x128xf32, #tpu.memory_space<hbm>>) target_semaphore(%run_scoped3A : memref<!tpu.dma_semaphore, #tpu.memory_space<semaphore_mem>>)
          %dma_wait3A_32 = arith.constant 0 : i32
          %dma_wait3A_33 = tpu.memref_slice %arg7[%mul3A_27, %dma_wait3A_32] : memref<160000x128xf32, #tpu.memory_space<hbm>> -> memref<128x128xf32, #tpu.memory_space<hbm>>
          %dma_wait3A_34 = arith.constant 0 : i32
          %dma_wait3A_35 = tpu.memref_slice %arg7[%mul3A_27, %dma_wait3A_34] : memref<160000x128xf32, #tpu.memory_space<hbm>> -> memref<128x128xf32, #tpu.memory_space<hbm>>
          tpu.wait_dma2 semaphore(%run_scoped3A : memref<!tpu.dma_semaphore, #tpu.memory_space<semaphore_mem>>) src(%arg11 : memref<128x128xf32, #tpu.memory_space<vmem>>) dst(%dma_wait3A_35 : memref<128x128xf32, #tpu.memory_space<hbm>>)
          tpu.yield
        }) : () -> ()
      } else {
      }
    }
    %scan3A_5 = arith.constant 40 : i32
    return
  }
}

#map = affine_map<(d0, d1) -> (0, 0)>
#map1 = affine_map<(d0, d1) -> (0)>
module attributes {stable_mosaic.version = 14 : i64} {
  func.func @_gather_body(%arg0: i32, %arg1: i32, %arg2: memref<10000x128xf32, #tpu.memory_space<hbm>>, %arg3: memref<10000x128xf32, #tpu.memory_space<hbm>>, %arg4: memref<160000xi32, #tpu.memory_space<hbm>>, %arg5: memref<160000xi32, #tpu.memory_space<hbm>>, %arg6: memref<160000x128xf32, #tpu.memory_space<hbm>>, %arg7: memref<160000x128xf32, #tpu.memory_space<hbm>>, %arg8: memref<128xi32, #tpu.memory_space<vmem>>, %arg9: memref<128xi32, #tpu.memory_space<vmem>>, %arg10: memref<128x128xf32, #tpu.memory_space<vmem>>, %arg11: memref<128x128xf32, #tpu.memory_space<vmem>>, %arg12: memref<!tpu.dma_semaphore, #tpu.memory_space<semaphore_mem>>, %arg13: memref<!tpu.dma_semaphore, #tpu.memory_space<semaphore_mem>>) attributes {dimension_semantics = [#tpu.dimension_semantics<core_parallel>, #tpu.dimension_semantics<subcore_parallel>], iteration_bounds = array<i64: 2, 16>, scalar_prefetch = 0 : i64, scratch_operands = 6 : i64, tpu.core_type = #tpu.core_type<sc_vector_subcore>, window_params = [{transform_indices = #map}, {transform_indices = #map}, {transform_indices = #map1}, {transform_indices = #map1}, {transform_indices = #map}, {transform_indices = #map}]} {
    %mul3A = arith.constant 16 : i32
    %mul3A_0 = arith.muli %arg0, %mul3A : i32
    %add3A = arith.addi %mul3A_0, %arg1 : i32
    %scan3A = arith.constant 0 : i32
    %scan3A_1 = arith.constant 0 : i32
    %scan3A_2 = arith.constant 40 : i32
    %scan3A_3 = arith.addi %scan3A_1, %scan3A_2 : i32
    %scan3A_4 = arith.constant 1 : i32
    scf.for %scan3A_6 = %scan3A_1 to %scan3A_3 step %scan3A_4  : i32 {
      %mul3A_7 = arith.constant 32 : i32
      %mul3A_8 = arith.muli %scan3A_6, %mul3A_7 : i32
      %add3A_9 = arith.addi %add3A, %mul3A_8 : i32
      %lt3A = arith.constant 1250 : i32
      %lt3A_10 = arith.cmpi slt, %add3A_9, %lt3A : i32
      %convert_element_type3A = arith.extui %lt3A_10 : i1 to i32
      %cond3A = arith.constant 0 : i32
      %cond3A_11 = arith.cmpi ne, %convert_element_type3A, %cond3A : i32
      scf.if %cond3A_11 {
        %mul3A_12 = arith.constant 128 : i32
        %mul3A_13 = arith.muli %add3A_9, %mul3A_12 : i32
        "tpu.region"() ({
          %run_scoped3A = tpu.sem_alloc : memref<!tpu.dma_semaphore, #tpu.memory_space<semaphore_mem>>
          %dma_start3A_28 = tpu.memref_slice %arg4[%mul3A_13] : memref<160000xi32, #tpu.memory_space<hbm>> -> memref<128xi32, #tpu.memory_space<hbm>>
          %dma_start3A_29 = tpu.memref_slice %arg4[%mul3A_13] : memref<160000xi32, #tpu.memory_space<hbm>> -> memref<128xi32, #tpu.memory_space<hbm>>
          tpu.enqueue_dma source(%dma_start3A_29 : memref<128xi32, #tpu.memory_space<hbm>>) target(%arg8 : memref<128xi32, #tpu.memory_space<vmem>>) target_semaphore(%run_scoped3A : memref<!tpu.dma_semaphore, #tpu.memory_space<semaphore_mem>>)
          %dma_wait3A_30 = tpu.memref_slice %arg4[%mul3A_13] : memref<160000xi32, #tpu.memory_space<hbm>> -> memref<128xi32, #tpu.memory_space<hbm>>
          %dma_wait3A_31 = tpu.memref_slice %arg4[%mul3A_13] : memref<160000xi32, #tpu.memory_space<hbm>> -> memref<128xi32, #tpu.memory_space<hbm>>
          tpu.wait_dma2 semaphore(%run_scoped3A : memref<!tpu.dma_semaphore, #tpu.memory_space<semaphore_mem>>) src(%dma_wait3A_31 : memref<128xi32, #tpu.memory_space<hbm>>) dst(%arg8 : memref<128xi32, #tpu.memory_space<vmem>>)
          tpu.yield
        }) : () -> ()
        %mul3A_14 = arith.constant 128 : i32
        %mul3A_15 = arith.muli %add3A_9, %mul3A_14 : i32
        "tpu.region"() ({
          %run_scoped3A = tpu.sem_alloc : memref<!tpu.dma_semaphore, #tpu.memory_space<semaphore_mem>>
          %dma_start3A_28 = tpu.memref_slice %arg5[%mul3A_15] : memref<160000xi32, #tpu.memory_space<hbm>> -> memref<128xi32, #tpu.memory_space<hbm>>
          %dma_start3A_29 = tpu.memref_slice %arg5[%mul3A_15] : memref<160000xi32, #tpu.memory_space<hbm>> -> memref<128xi32, #tpu.memory_space<hbm>>
          tpu.enqueue_dma source(%dma_start3A_29 : memref<128xi32, #tpu.memory_space<hbm>>) target(%arg9 : memref<128xi32, #tpu.memory_space<vmem>>) target_semaphore(%run_scoped3A : memref<!tpu.dma_semaphore, #tpu.memory_space<semaphore_mem>>)
          %dma_wait3A_30 = tpu.memref_slice %arg5[%mul3A_15] : memref<160000xi32, #tpu.memory_space<hbm>> -> memref<128xi32, #tpu.memory_space<hbm>>
          %dma_wait3A_31 = tpu.memref_slice %arg5[%mul3A_15] : memref<160000xi32, #tpu.memory_space<hbm>> -> memref<128xi32, #tpu.memory_space<hbm>>
          tpu.wait_dma2 semaphore(%run_scoped3A : memref<!tpu.dma_semaphore, #tpu.memory_space<semaphore_mem>>) src(%dma_wait3A_31 : memref<128xi32, #tpu.memory_space<hbm>>) dst(%arg9 : memref<128xi32, #tpu.memory_space<vmem>>)
          tpu.yield
        }) : () -> ()
        %dma_start3A = arith.constant 0 : i32
        %dma_start3A_16 = arith.constant 0 : i32
        %dma_start3A_17 = tpu.memref_slice %arg2[%dma_start3A, %dma_start3A_16] : memref<10000x128xf32, #tpu.memory_space<hbm>> -> memref<10000x128xf32, #tpu.memory_space<hbm>>
        tpu.enqueue_indirect_dma source(%dma_start3A_17 : memref<10000x128xf32, #tpu.memory_space<hbm>>) target(%arg10 : memref<128x128xf32, #tpu.memory_space<vmem>>) offsets(%arg8 : memref<128xi32, #tpu.memory_space<vmem>>) semaphore(%arg12 : memref<!tpu.dma_semaphore, #tpu.memory_space<semaphore_mem>>)
        %dma_start3A_18 = arith.constant 0 : i32
        %dma_start3A_19 = arith.constant 0 : i32
        %dma_start3A_20 = tpu.memref_slice %arg3[%dma_start3A_18, %dma_start3A_19] : memref<10000x128xf32, #tpu.memory_space<hbm>> -> memref<10000x128xf32, #tpu.memory_space<hbm>>
        tpu.enqueue_indirect_dma source(%dma_start3A_20 : memref<10000x128xf32, #tpu.memory_space<hbm>>) target(%arg11 : memref<128x128xf32, #tpu.memory_space<vmem>>) offsets(%arg9 : memref<128xi32, #tpu.memory_space<vmem>>) semaphore(%arg13 : memref<!tpu.dma_semaphore, #tpu.memory_space<semaphore_mem>>)
        %dma_wait3A = arith.constant 0 : i32
        %dma_wait3A_21 = arith.constant 0 : i32
        %dma_wait3A_22 = tpu.memref_slice %arg2[%dma_wait3A, %dma_wait3A_21] : memref<10000x128xf32, #tpu.memory_space<hbm>> -> memref<10000x128xf32, #tpu.memory_space<hbm>>
        tpu.wait_indirect_dma semaphore(%arg12 : memref<!tpu.dma_semaphore, #tpu.memory_space<semaphore_mem>>) src(%dma_wait3A_22 : memref<10000x128xf32, #tpu.memory_space<hbm>>) dst(%arg10 : memref<128x128xf32, #tpu.memory_space<vmem>>)
        %dma_wait3A_23 = arith.constant 0 : i32
        %dma_wait3A_24 = arith.constant 0 : i32
        %dma_wait3A_25 = tpu.memref_slice %arg3[%dma_wait3A_23, %dma_wait3A_24] : memref<10000x128xf32, #tpu.memory_space<hbm>> -> memref<10000x128xf32, #tpu.memory_space<hbm>>
        tpu.wait_indirect_dma semaphore(%arg13 : memref<!tpu.dma_semaphore, #tpu.memory_space<semaphore_mem>>) src(%dma_wait3A_25 : memref<10000x128xf32, #tpu.memory_space<hbm>>) dst(%arg11 : memref<128x128xf32, #tpu.memory_space<vmem>>)
        %mul3A_26 = arith.constant 128 : i32
        %mul3A_27 = arith.muli %add3A_9, %mul3A_26 : i32
        "tpu.region"() ({
          %run_scoped3A = tpu.sem_alloc : memref<!tpu.dma_semaphore, #tpu.memory_space<semaphore_mem>>
          %dma_start3A_28 = arith.constant 0 : i32
          %dma_start3A_29 = tpu.memref_slice %arg6[%mul3A_27, %dma_start3A_28] : memref<160000x128xf32, #tpu.memory_space<hbm>> -> memref<128x128xf32, #tpu.memory_space<hbm>>
          %dma_start3A_30 = arith.constant 0 : i32
          %dma_start3A_31 = tpu.memref_slice %arg6[%mul3A_27, %dma_start3A_30] : memref<160000x128xf32, #tpu.memory_space<hbm>> -> memref<128x128xf32, #tpu.memory_space<hbm>>
          tpu.enqueue_dma source(%arg10 : memref<128x128xf32, #tpu.memory_space<vmem>>) target(%dma_start3A_31 : memref<128x128xf32, #tpu.memory_space<hbm>>) target_semaphore(%run_scoped3A : memref<!tpu.dma_semaphore, #tpu.memory_space<semaphore_mem>>)
          %dma_wait3A_32 = arith.constant 0 : i32
          %dma_wait3A_33 = tpu.memref_slice %arg6[%mul3A_27, %dma_wait3A_32] : memref<160000x128xf32, #tpu.memory_space<hbm>> -> memref<128x128xf32, #tpu.memory_space<hbm>>
          %dma_wait3A_34 = arith.constant 0 : i32
          %dma_wait3A_35 = tpu.memref_slice %arg6[%mul3A_27, %dma_wait3A_34] : memref<160000x128xf32, #tpu.memory_space<hbm>> -> memref<128x128xf32, #tpu.memory_space<hbm>>
          tpu.wait_dma2 semaphore(%run_scoped3A : memref<!tpu.dma_semaphore, #tpu.memory_space<semaphore_mem>>) src(%arg10 : memref<128x128xf32, #tpu.memory_space<vmem>>) dst(%dma_wait3A_35 : memref<128x128xf32, #tpu.memory_space<hbm>>)
          tpu.yield
        }) : () -> ()
        "tpu.region"() ({
          %run_scoped3A = tpu.sem_alloc : memref<!tpu.dma_semaphore, #tpu.memory_space<semaphore_mem>>
          %dma_start3A_28 = arith.constant 0 : i32
          %dma_start3A_29 = tpu.memref_slice %arg7[%mul3A_27, %dma_start3A_28] : memref<160000x128xf32, #tpu.memory_space<hbm>> -> memref<128x128xf32, #tpu.memory_space<hbm>>
          %dma_start3A_30 = arith.constant 0 : i32
          %dma_start3A_31 = tpu.memref_slice %arg7[%mul3A_27, %dma_start3A_30] : memref<160000x128xf32, #tpu.memory_space<hbm>> -> memref<128x128xf32, #tpu.memory_space<hbm>>
          tpu.enqueue_dma source(%arg11 : memref<128x128xf32, #tpu.memory_space<vmem>>) target(%dma_start3A_31 : memref<128x128xf32, #tpu.memory_space<hbm>>) target_semaphore(%run_scoped3A : memref<!tpu.dma_semaphore, #tpu.memory_space<semaphore_mem>>)
          %dma_wait3A_32 = arith.constant 0 : i32
          %dma_wait3A_33 = tpu.memref_slice %arg7[%mul3A_27, %dma_wait3A_32] : memref<160000x128xf32, #tpu.memory_space<hbm>> -> memref<128x128xf32, #tpu.memory_space<hbm>>
          %dma_wait3A_34 = arith.constant 0 : i32
          %dma_wait3A_35 = tpu.memref_slice %arg7[%mul3A_27, %dma_wait3A_34] : memref<160000x128xf32, #tpu.memory_space<hbm>> -> memref<128x128xf32, #tpu.memory_space<hbm>>
          tpu.wait_dma2 semaphore(%run_scoped3A : memref<!tpu.dma_semaphore, #tpu.memory_space<semaphore_mem>>) src(%arg11 : memref<128x128xf32, #tpu.memory_space<vmem>>) dst(%dma_wait3A_35 : memref<128x128xf32, #tpu.memory_space<hbm>>)
          tpu.yield
        }) : () -> ()
      } else {
      }
    }
    %scan3A_5 = arith.constant 40 : i32
    return
  }
}

module attributes {stable_mosaic.version = 14 : i64} {
  func.func @_pq_body(%arg0: i32, %arg1: memref<2000x128xf32, #tpu.memory_space<vmem>>, %arg2: memref<128x256xf32, #tpu.memory_space<vmem>>, %arg3: memref<2000x128xf32, #tpu.memory_space<vmem>>, %arg4: memref<2000x128xf32, #tpu.memory_space<vmem>>) attributes {dimension_semantics = [#tpu.dimension_semantics<arbitrary>], iteration_bounds = array<i64: 5>, scalar_prefetch = 0 : i64, scratch_operands = 0 : i64, tpu.core_type = #tpu.core_type<tc>, window_params = [{transform_indices = @transform_0, window_bounds = array<i64: 2000, 128>}, {pipeline_mode = #tpu.pipeline_mode<synchronous>, transform_indices = @transform_1, window_bounds = array<i64: 128, 256>}, {transform_indices = @transform_2, window_bounds = array<i64: 2000, 128>}, {transform_indices = @transform_3, window_bounds = array<i64: 2000, 128>}]} {
    %get3A = arith.constant 0 : index
    %get3A_0 = arith.constant 0 : index
    %get3A_1 = vector.load %arg1[%get3A, %get3A_0] : memref<2000x128xf32, #tpu.memory_space<vmem>>, vector<2000x128xf32>
    %get3A_2 = arith.constant 0 : index
    %get3A_3 = arith.constant 0 : index
    %get3A_4 = vector.load %arg2[%get3A_2, %get3A_3] : memref<128x256xf32, #tpu.memory_space<vmem>>, vector<128x256xf32>
    %dot_general3A = arith.constant dense<0.000000e+00> : vector<2000x256xf32>
    %dot_general3A_5 = tpu.matmul %get3A_1, %get3A_4, %dot_general3A {dimension_numbers = #tpu.dot_dimension_numbers<[1], [0], [0], [1], [0, 0, 1, 1], [], []>, transpose_lhs_hint = false} : vector<2000x128xf32>, vector<128x256xf32>, vector<2000x256xf32> -> vector<2000x256xf32>
    %slice3A = vector.extract_strided_slice %dot_general3A_5 {offsets = [0, 0], sizes = [2000, 128], strides = [1, 1]} : vector<2000x256xf32> to vector<2000x128xf32>
    %swap3A = arith.constant 0 : index
    %swap3A_6 = arith.constant 0 : index
    %swap3A_7 = vector.load %arg3[%swap3A, %swap3A_6] : memref<2000x128xf32, #tpu.memory_space<vmem>>, vector<2000x128xf32>
    tpu.vector_store %arg3[%swap3A, %swap3A_6], %slice3A {strides = array<i32>} : memref<2000x128xf32, #tpu.memory_space<vmem>>, vector<2000x128xf32>,
    %slice3A_8 = vector.extract_strided_slice %dot_general3A_5 {offsets = [0, 128], sizes = [2000, 128], strides = [1, 1]} : vector<2000x256xf32> to vector<2000x128xf32>
    %swap3A_9 = arith.constant 0 : index
    %swap3A_10 = arith.constant 0 : index
    %swap3A_11 = vector.load %arg4[%swap3A_9, %swap3A_10] : memref<2000x128xf32, #tpu.memory_space<vmem>>, vector<2000x128xf32>
    tpu.vector_store %arg4[%swap3A_9, %swap3A_10], %slice3A_8 {strides = array<i32>} : memref<2000x128xf32, #tpu.memory_space<vmem>>, vector<2000x128xf32>,
    return
  }
  func.func @transform_0(%arg0: i32) -> (i32, i32) {
    %c0_i32 = arith.constant 0 : i32
    %c0_i32_0 = arith.constant 0 : i32
    return %arg0, %c0_i32 : i32, i32
  }
  func.func @transform_1(%arg0: i32) -> (i32, i32) {
    %c0_i32 = arith.constant 0 : i32
    %c0_i32_0 = arith.constant 0 : i32
    %c0_i32_1 = arith.constant 0 : i32
    return %c0_i32, %c0_i32_0 : i32, i32
  }
  func.func @transform_2(%arg0: i32) -> (i32, i32) {
    %c0_i32 = arith.constant 0 : i32
    %c0_i32_0 = arith.constant 0 : i32
    return %arg0, %c0_i32 : i32, i32
  }
  func.func @transform_3(%arg0: i32) -> (i32, i32) {
    %c0_i32 = arith.constant 0 : i32
    %c0_i32_0 = arith.constant 0 : i32
    return %arg0, %c0_i32 : i32, i32
  }
}

module attributes {stable_mosaic.version = 14 : i64} {
  func.func @_edge_mlp_body(%arg0: i32, %arg1: memref<2000x128xf32, #tpu.memory_space<vmem>>, %arg2: memref<2000x128xf32, #tpu.memory_space<vmem>>, %arg3: memref<2000x128xf32, #tpu.memory_space<vmem>>, %arg4: memref<128x128xf32, #tpu.memory_space<vmem>>, %arg5: memref<128x128xf32, #tpu.memory_space<vmem>>, %arg6: memref<4x128xf32, #tpu.memory_space<vmem>>, %arg7: memref<2000x128xf32, #tpu.memory_space<vmem>>) attributes {dimension_semantics = [#tpu.dimension_semantics<arbitrary>], iteration_bounds = array<i64: 80>, scalar_prefetch = 0 : i64, scratch_operands = 0 : i64, tpu.core_type = #tpu.core_type<tc>, window_params = [{transform_indices = @transform_0, window_bounds = array<i64: 2000, 128>}, {transform_indices = @transform_1, window_bounds = array<i64: 2000, 128>}, {transform_indices = @transform_2, window_bounds = array<i64: 2000, 128>}, {pipeline_mode = #tpu.pipeline_mode<synchronous>, transform_indices = @transform_3, window_bounds = array<i64: 128, 128>}, {pipeline_mode = #tpu.pipeline_mode<synchronous>, transform_indices = @transform_4, window_bounds = array<i64: 128, 128>}, {pipeline_mode = #tpu.pipeline_mode<synchronous>, transform_indices = @transform_5, window_bounds = array<i64: 4, 128>}, {transform_indices = @transform_6, window_bounds = array<i64: 2000, 128>}]} {
    %get3A = arith.constant 0 : index
    %get3A_0 = arith.constant 0 : index
    %get3A_1 = vector.load %arg1[%get3A, %get3A_0] : memref<2000x128xf32, #tpu.memory_space<vmem>>, vector<2000x128xf32>
    %get3A_2 = arith.constant 0 : index
    %get3A_3 = arith.constant 0 : index
    %get3A_4 = vector.load %arg4[%get3A_2, %get3A_3] : memref<128x128xf32, #tpu.memory_space<vmem>>, vector<128x128xf32>
    %dot_general3A = arith.constant dense<0.000000e+00> : vector<2000x128xf32>
    %dot_general3A_5 = tpu.matmul %get3A_1, %get3A_4, %dot_general3A {dimension_numbers = #tpu.dot_dimension_numbers<[1], [0], [0], [1], [0, 0, 1, 1], [], []>, transpose_lhs_hint = false} : vector<2000x128xf32>, vector<128x128xf32>, vector<2000x128xf32> -> vector<2000x128xf32>
    %get3A_6 = arith.constant 0 : index
    %get3A_7 = arith.constant 0 : index
    %get3A_8 = vector.load %arg2[%get3A_6, %get3A_7] : memref<2000x128xf32, #tpu.memory_space<vmem>>, vector<2000x128xf32>
    %add3A = arith.addf %dot_general3A_5, %get3A_8 : vector<2000x128xf32>
    %get3A_9 = arith.constant 0 : index
    %get3A_10 = arith.constant 0 : index
    %get3A_11 = vector.load %arg3[%get3A_9, %get3A_10] : memref<2000x128xf32, #tpu.memory_space<vmem>>, vector<2000x128xf32>
    %add3A_12 = arith.addf %add3A, %get3A_11 : vector<2000x128xf32>
    %get3A_13 = arith.constant 0 : index
    %get3A_14 = arith.constant 0 : index
    %get3A_15 = vector.load %arg6[%get3A_13, %get3A_14] : memref<4x128xf32, #tpu.memory_space<vmem>>, vector<1x128xf32>
    %get3A_16 = vector.shape_cast %get3A_15 : vector<1x128xf32> to vector<128xf32>
    %broadcast_in_dim3A = vector.shape_cast %get3A_16 : vector<128xf32> to vector<1x128xf32>
    %add3A_17 = vector.broadcast %broadcast_in_dim3A : vector<1x128xf32> to vector<2000x128xf32>
    %add3A_18 = arith.addf %add3A_12, %add3A_17 : vector<2000x128xf32>
    %logistic3A = arith.negf %add3A_18 : vector<2000x128xf32>
    %logistic3A_19 = math.exp %logistic3A : vector<2000x128xf32>
    %logistic3A_20 = arith.constant 1.000000e+00 : f32
    %logistic3A_21 = vector.broadcast %logistic3A_20 : f32 to vector<2000x128xf32>
    %logistic3A_22 = arith.addf %logistic3A_21, %logistic3A_19 : vector<2000x128xf32>
    %logistic3A_23 = arith.divf %logistic3A_21, %logistic3A_22 : vector<2000x128xf32>
    %mul3A = arith.mulf %add3A_18, %logistic3A_23 : vector<2000x128xf32>
    %get3A_24 = arith.constant 0 : index
    %get3A_25 = arith.constant 0 : index
    %get3A_26 = vector.load %arg5[%get3A_24, %get3A_25] : memref<128x128xf32, #tpu.memory_space<vmem>>, vector<128x128xf32>
    %dot_general3A_27 = arith.constant dense<0.000000e+00> : vector<2000x128xf32>
    %dot_general3A_28 = tpu.matmul %mul3A, %get3A_26, %dot_general3A_27 {dimension_numbers = #tpu.dot_dimension_numbers<[1], [0], [0], [1], [0, 0, 1, 1], [], []>, transpose_lhs_hint = false} : vector<2000x128xf32>, vector<128x128xf32>, vector<2000x128xf32> -> vector<2000x128xf32>
    %get3A_29 = arith.constant 1 : index
    %get3A_30 = arith.constant 0 : index
    %get3A_31 = vector.load %arg6[%get3A_29, %get3A_30] : memref<4x128xf32, #tpu.memory_space<vmem>>, vector<1x128xf32>
    %get3A_32 = vector.shape_cast %get3A_31 : vector<1x128xf32> to vector<128xf32>
    %broadcast_in_dim3A_33 = vector.shape_cast %get3A_32 : vector<128xf32> to vector<1x128xf32>
    %add3A_34 = vector.broadcast %broadcast_in_dim3A_33 : vector<1x128xf32> to vector<2000x128xf32>
    %add3A_35 = arith.addf %dot_general3A_28, %add3A_34 : vector<2000x128xf32>
    %reduce_sum3A = arith.constant dense<0.000000e+00> : vector<2000xf32>
    %reduce_sum3A_36 = vector.multi_reduction <add>, %add3A_35, %reduce_sum3A [1] : vector<2000x128xf32> to vector<2000xf32>
    %broadcast_in_dim3A_37 = vector.shape_cast %reduce_sum3A_36 : vector<2000xf32> to vector<2000x1xf32>
    %div3A = arith.constant 1.280000e+02 : f32
    %div3A_38 = vector.broadcast %div3A : f32 to vector<2000x1xf32>
    %div3A_39 = arith.divf %broadcast_in_dim3A_37, %div3A_38 : vector<2000x1xf32>
    %sub3A = vector.broadcast %div3A_39 : vector<2000x1xf32> to vector<2000x128xf32>
    %sub3A_40 = arith.subf %add3A_35, %sub3A : vector<2000x128xf32>
    %integer_pow3A = arith.mulf %sub3A_40, %sub3A_40 : vector<2000x128xf32>
    %reduce_sum3A_41 = arith.constant dense<0.000000e+00> : vector<2000xf32>
    %reduce_sum3A_42 = vector.multi_reduction <add>, %integer_pow3A, %reduce_sum3A_41 [1] : vector<2000x128xf32> to vector<2000xf32>
    %broadcast_in_dim3A_43 = vector.shape_cast %reduce_sum3A_42 : vector<2000xf32> to vector<2000x1xf32>
    %div3A_44 = arith.constant 1.280000e+02 : f32
    %div3A_45 = vector.broadcast %div3A_44 : f32 to vector<2000x1xf32>
    %div3A_46 = arith.divf %broadcast_in_dim3A_43, %div3A_45 : vector<2000x1xf32>
    %sub3A_47 = vector.broadcast %div3A_39 : vector<2000x1xf32> to vector<2000x128xf32>
    %sub3A_48 = arith.subf %add3A_35, %sub3A_47 : vector<2000x128xf32>
    %add3A_49 = arith.constant 9.99999974E-6 : f32
    %add3A_50 = vector.broadcast %add3A_49 : f32 to vector<2000x1xf32>
    %add3A_51 = arith.addf %div3A_46, %add3A_50 : vector<2000x1xf32>
    %rsqrt3A = math.rsqrt %add3A_51 : vector<2000x1xf32>
    %mul3A_52 = vector.broadcast %rsqrt3A : vector<2000x1xf32> to vector<2000x128xf32>
    %mul3A_53 = arith.mulf %sub3A_48, %mul3A_52 : vector<2000x128xf32>
    %get3A_54 = arith.constant 2 : index
    %get3A_55 = arith.constant 0 : index
    %get3A_56 = vector.load %arg6[%get3A_54, %get3A_55] : memref<4x128xf32, #tpu.memory_space<vmem>>, vector<1x128xf32>
    %get3A_57 = vector.shape_cast %get3A_56 : vector<1x128xf32> to vector<128xf32>
    %broadcast_in_dim3A_58 = vector.shape_cast %get3A_57 : vector<128xf32> to vector<1x128xf32>
    %mul3A_59 = vector.broadcast %broadcast_in_dim3A_58 : vector<1x128xf32> to vector<2000x128xf32>
    %mul3A_60 = arith.mulf %mul3A_53, %mul3A_59 : vector<2000x128xf32>
    %get3A_61 = arith.constant 3 : index
    %get3A_62 = arith.constant 0 : index
    %get3A_63 = vector.load %arg6[%get3A_61, %get3A_62] : memref<4x128xf32, #tpu.memory_space<vmem>>, vector<1x128xf32>
    %get3A_64 = vector.shape_cast %get3A_63 : vector<1x128xf32> to vector<128xf32>
    %broadcast_in_dim3A_65 = vector.shape_cast %get3A_64 : vector<128xf32> to vector<1x128xf32>
    %add3A_66 = vector.broadcast %broadcast_in_dim3A_65 : vector<1x128xf32> to vector<2000x128xf32>
    %add3A_67 = arith.addf %mul3A_60, %add3A_66 : vector<2000x128xf32>
    %add3A_68 = arith.addf %add3A_67, %get3A_1 : vector<2000x128xf32>
    %swap3A = arith.constant 0 : index
    %swap3A_69 = arith.constant 0 : index
    %swap3A_70 = vector.load %arg7[%swap3A, %swap3A_69] : memref<2000x128xf32, #tpu.memory_space<vmem>>, vector<2000x128xf32>
    tpu.vector_store %arg7[%swap3A, %swap3A_69], %add3A_68 {strides = array<i32>} : memref<2000x128xf32, #tpu.memory_space<vmem>>, vector<2000x128xf32>,
    return
  }
  func.func @transform_0(%arg0: i32) -> (i32, i32) {
    %c0_i32 = arith.constant 0 : i32
    %c0_i32_0 = arith.constant 0 : i32
    return %arg0, %c0_i32 : i32, i32
  }
  func.func @transform_1(%arg0: i32) -> (i32, i32) {
    %c0_i32 = arith.constant 0 : i32
    %c0_i32_0 = arith.constant 0 : i32
    return %arg0, %c0_i32 : i32, i32
  }
  func.func @transform_2(%arg0: i32) -> (i32, i32) {
    %c0_i32 = arith.constant 0 : i32
    %c0_i32_0 = arith.constant 0 : i32
    return %arg0, %c0_i32 : i32, i32
  }
  func.func @transform_3(%arg0: i32) -> (i32, i32) {
    %c0_i32 = arith.constant 0 : i32
    %c0_i32_0 = arith.constant 0 : i32
    %c0_i32_1 = arith.constant 0 : i32
    return %c0_i32, %c0_i32_0 : i32, i32
  }
  func.func @transform_4(%arg0: i32) -> (i32, i32) {
    %c0_i32 = arith.constant 0 : i32
    %c0_i32_0 = arith.constant 0 : i32
    %c0_i32_1 = arith.constant 0 : i32
    return %c0_i32, %c0_i32_0 : i32, i32
  }
  func.func @transform_5(%arg0: i32) -> (i32, i32) {
    %c0_i32 = arith.constant 0 : i32
    %c0_i32_0 = arith.constant 0 : i32
    %c0_i32_1 = arith.constant 0 : i32
    return %c0_i32, %c0_i32_0 : i32, i32
  }
  func.func @transform_6(%arg0: i32) -> (i32, i32) {
    %c0_i32 = arith.constant 0 : i32
    %c0_i32_0 = arith.constant 0 : i32
    return %arg0, %c0_i32 : i32, i32
  }
}

module attributes {stable_mosaic.version = 14 : i64} {
  func.func @_node_mlp_body(%arg0: i32, %arg1: memref<2000x128xf32, #tpu.memory_space<vmem>>, %arg2: memref<2000x128xf32, #tpu.memory_space<vmem>>, %arg3: memref<2000x128xf32, #tpu.memory_space<vmem>>, %arg4: memref<128x128xf32, #tpu.memory_space<vmem>>, %arg5: memref<128x128xf32, #tpu.memory_space<vmem>>, %arg6: memref<128x128xf32, #tpu.memory_space<vmem>>, %arg7: memref<4x128xf32, #tpu.memory_space<vmem>>, %arg8: memref<2000x128xf32, #tpu.memory_space<vmem>>) attributes {dimension_semantics = [#tpu.dimension_semantics<arbitrary>], iteration_bounds = array<i64: 5>, scalar_prefetch = 0 : i64, scratch_operands = 0 : i64, tpu.core_type = #tpu.core_type<tc>, window_params = [{transform_indices = @transform_0, window_bounds = array<i64: 2000, 128>}, {transform_indices = @transform_1, window_bounds = array<i64: 2000, 128>}, {transform_indices = @transform_2, window_bounds = array<i64: 2000, 128>}, {pipeline_mode = #tpu.pipeline_mode<synchronous>, transform_indices = @transform_3, window_bounds = array<i64: 128, 128>}, {pipeline_mode = #tpu.pipeline_mode<synchronous>, transform_indices = @transform_4, window_bounds = array<i64: 128, 128>}, {pipeline_mode = #tpu.pipeline_mode<synchronous>, transform_indices = @transform_5, window_bounds = array<i64: 128, 128>}, {pipeline_mode = #tpu.pipeline_mode<synchronous>, transform_indices = @transform_6, window_bounds = array<i64: 4, 128>}, {transform_indices = @transform_7, window_bounds = array<i64: 2000, 128>}]} {
    %get3A = arith.constant 0 : index
    %get3A_0 = arith.constant 0 : index
    %get3A_1 = vector.load %arg1[%get3A, %get3A_0] : memref<2000x128xf32, #tpu.memory_space<vmem>>, vector<2000x128xf32>
    %get3A_2 = arith.constant 0 : index
    %get3A_3 = arith.constant 0 : index
    %get3A_4 = vector.load %arg2[%get3A_2, %get3A_3] : memref<2000x128xf32, #tpu.memory_space<vmem>>, vector<2000x128xf32>
    %get3A_5 = arith.constant 0 : index
    %get3A_6 = arith.constant 0 : index
    %get3A_7 = vector.load %arg3[%get3A_5, %get3A_6] : memref<2000x128xf32, #tpu.memory_space<vmem>>, vector<2000x128xf32>
    %add3A = arith.addf %get3A_4, %get3A_7 : vector<2000x128xf32>
    %get3A_8 = arith.constant 0 : index
    %get3A_9 = arith.constant 0 : index
    %get3A_10 = vector.load %arg4[%get3A_8, %get3A_9] : memref<128x128xf32, #tpu.memory_space<vmem>>, vector<128x128xf32>
    %dot_general3A = arith.constant dense<0.000000e+00> : vector<2000x128xf32>
    %dot_general3A_11 = tpu.matmul %get3A_1, %get3A_10, %dot_general3A {dimension_numbers = #tpu.dot_dimension_numbers<[1], [0], [0], [1], [0, 0, 1, 1], [], []>, transpose_lhs_hint = false} : vector<2000x128xf32>, vector<128x128xf32>, vector<2000x128xf32> -> vector<2000x128xf32>
    %get3A_12 = arith.constant 0 : index
    %get3A_13 = arith.constant 0 : index
    %get3A_14 = vector.load %arg5[%get3A_12, %get3A_13] : memref<128x128xf32, #tpu.memory_space<vmem>>, vector<128x128xf32>
    %dot_general3A_15 = arith.constant dense<0.000000e+00> : vector<2000x128xf32>
    %dot_general3A_16 = tpu.matmul %add3A, %get3A_14, %dot_general3A_15 {dimension_numbers = #tpu.dot_dimension_numbers<[1], [0], [0], [1], [0, 0, 1, 1], [], []>, transpose_lhs_hint = false} : vector<2000x128xf32>, vector<128x128xf32>, vector<2000x128xf32> -> vector<2000x128xf32>
    %add3A_17 = arith.addf %dot_general3A_11, %dot_general3A_16 : vector<2000x128xf32>
    %get3A_18 = arith.constant 0 : index
    %get3A_19 = arith.constant 0 : index
    %get3A_20 = vector.load %arg7[%get3A_18, %get3A_19] : memref<4x128xf32, #tpu.memory_space<vmem>>, vector<1x128xf32>
    %get3A_21 = vector.shape_cast %get3A_20 : vector<1x128xf32> to vector<128xf32>
    %broadcast_in_dim3A = vector.shape_cast %get3A_21 : vector<128xf32> to vector<1x128xf32>
    %add3A_22 = vector.broadcast %broadcast_in_dim3A : vector<1x128xf32> to vector<2000x128xf32>
    %add3A_23 = arith.addf %add3A_17, %add3A_22 : vector<2000x128xf32>
    %logistic3A = arith.negf %add3A_23 : vector<2000x128xf32>
    %logistic3A_24 = math.exp %logistic3A : vector<2000x128xf32>
    %logistic3A_25 = arith.constant 1.000000e+00 : f32
    %logistic3A_26 = vector.broadcast %logistic3A_25 : f32 to vector<2000x128xf32>
    %logistic3A_27 = arith.addf %logistic3A_26, %logistic3A_24 : vector<2000x128xf32>
    %logistic3A_28 = arith.divf %logistic3A_26, %logistic3A_27 : vector<2000x128xf32>
    %mul3A = arith.mulf %add3A_23, %logistic3A_28 : vector<2000x128xf32>
    %get3A_29 = arith.constant 0 : index
    %get3A_30 = arith.constant 0 : index
    %get3A_31 = vector.load %arg6[%get3A_29, %get3A_30] : memref<128x128xf32, #tpu.memory_space<vmem>>, vector<128x128xf32>
    %dot_general3A_32 = arith.constant dense<0.000000e+00> : vector<2000x128xf32>
    %dot_general3A_33 = tpu.matmul %mul3A, %get3A_31, %dot_general3A_32 {dimension_numbers = #tpu.dot_dimension_numbers<[1], [0], [0], [1], [0, 0, 1, 1], [], []>, transpose_lhs_hint = false} : vector<2000x128xf32>, vector<128x128xf32>, vector<2000x128xf32> -> vector<2000x128xf32>
    %get3A_34 = arith.constant 1 : index
    %get3A_35 = arith.constant 0 : index
    %get3A_36 = vector.load %arg7[%get3A_34, %get3A_35] : memref<4x128xf32, #tpu.memory_space<vmem>>, vector<1x128xf32>
    %get3A_37 = vector.shape_cast %get3A_36 : vector<1x128xf32> to vector<128xf32>
    %broadcast_in_dim3A_38 = vector.shape_cast %get3A_37 : vector<128xf32> to vector<1x128xf32>
    %add3A_39 = vector.broadcast %broadcast_in_dim3A_38 : vector<1x128xf32> to vector<2000x128xf32>
    %add3A_40 = arith.addf %dot_general3A_33, %add3A_39 : vector<2000x128xf32>
    %reduce_sum3A = arith.constant dense<0.000000e+00> : vector<2000xf32>
    %reduce_sum3A_41 = vector.multi_reduction <add>, %add3A_40, %reduce_sum3A [1] : vector<2000x128xf32> to vector<2000xf32>
    %broadcast_in_dim3A_42 = vector.shape_cast %reduce_sum3A_41 : vector<2000xf32> to vector<2000x1xf32>
    %div3A = arith.constant 1.280000e+02 : f32
    %div3A_43 = vector.broadcast %div3A : f32 to vector<2000x1xf32>
    %div3A_44 = arith.divf %broadcast_in_dim3A_42, %div3A_43 : vector<2000x1xf32>
    %sub3A = vector.broadcast %div3A_44 : vector<2000x1xf32> to vector<2000x128xf32>
    %sub3A_45 = arith.subf %add3A_40, %sub3A : vector<2000x128xf32>
    %integer_pow3A = arith.mulf %sub3A_45, %sub3A_45 : vector<2000x128xf32>
    %reduce_sum3A_46 = arith.constant dense<0.000000e+00> : vector<2000xf32>
    %reduce_sum3A_47 = vector.multi_reduction <add>, %integer_pow3A, %reduce_sum3A_46 [1] : vector<2000x128xf32> to vector<2000xf32>
    %broadcast_in_dim3A_48 = vector.shape_cast %reduce_sum3A_47 : vector<2000xf32> to vector<2000x1xf32>
    %div3A_49 = arith.constant 1.280000e+02 : f32
    %div3A_50 = vector.broadcast %div3A_49 : f32 to vector<2000x1xf32>
    %div3A_51 = arith.divf %broadcast_in_dim3A_48, %div3A_50 : vector<2000x1xf32>
    %sub3A_52 = vector.broadcast %div3A_44 : vector<2000x1xf32> to vector<2000x128xf32>
    %sub3A_53 = arith.subf %add3A_40, %sub3A_52 : vector<2000x128xf32>
    %add3A_54 = arith.constant 9.99999974E-6 : f32
    %add3A_55 = vector.broadcast %add3A_54 : f32 to vector<2000x1xf32>
    %add3A_56 = arith.addf %div3A_51, %add3A_55 : vector<2000x1xf32>
    %rsqrt3A = math.rsqrt %add3A_56 : vector<2000x1xf32>
    %mul3A_57 = vector.broadcast %rsqrt3A : vector<2000x1xf32> to vector<2000x128xf32>
    %mul3A_58 = arith.mulf %sub3A_53, %mul3A_57 : vector<2000x128xf32>
    %get3A_59 = arith.constant 2 : index
    %get3A_60 = arith.constant 0 : index
    %get3A_61 = vector.load %arg7[%get3A_59, %get3A_60] : memref<4x128xf32, #tpu.memory_space<vmem>>, vector<1x128xf32>
    %get3A_62 = vector.shape_cast %get3A_61 : vector<1x128xf32> to vector<128xf32>
    %broadcast_in_dim3A_63 = vector.shape_cast %get3A_62 : vector<128xf32> to vector<1x128xf32>
    %mul3A_64 = vector.broadcast %broadcast_in_dim3A_63 : vector<1x128xf32> to vector<2000x128xf32>
    %mul3A_65 = arith.mulf %mul3A_58, %mul3A_64 : vector<2000x128xf32>
    %get3A_66 = arith.constant 3 : index
    %get3A_67 = arith.constant 0 : index
    %get3A_68 = vector.load %arg7[%get3A_66, %get3A_67] : memref<4x128xf32, #tpu.memory_space<vmem>>, vector<1x128xf32>
    %get3A_69 = vector.shape_cast %get3A_68 : vector<1x128xf32> to vector<128xf32>
    %broadcast_in_dim3A_70 = vector.shape_cast %get3A_69 : vector<128xf32> to vector<1x128xf32>
    %add3A_71 = vector.broadcast %broadcast_in_dim3A_70 : vector<1x128xf32> to vector<2000x128xf32>
    %add3A_72 = arith.addf %mul3A_65, %add3A_71 : vector<2000x128xf32>
    %add3A_73 = arith.addf %add3A_72, %get3A_1 : vector<2000x128xf32>
    %swap3A = arith.constant 0 : index
    %swap3A_74 = arith.constant 0 : index
    %swap3A_75 = vector.load %arg8[%swap3A, %swap3A_74] : memref<2000x128xf32, #tpu.memory_space<vmem>>, vector<2000x128xf32>
    tpu.vector_store %arg8[%swap3A, %swap3A_74], %add3A_73 {strides = array<i32>} : memref<2000x128xf32, #tpu.memory_space<vmem>>, vector<2000x128xf32>,
    return
  }
  func.func @transform_0(%arg0: i32) -> (i32, i32) {
    %c0_i32 = arith.constant 0 : i32
    %c0_i32_0 = arith.constant 0 : i32
    return %arg0, %c0_i32 : i32, i32
  }
  func.func @transform_1(%arg0: i32) -> (i32, i32) {
    %c0_i32 = arith.constant 0 : i32
    %c0_i32_0 = arith.constant 0 : i32
    return %arg0, %c0_i32 : i32, i32
  }
  func.func @transform_2(%arg0: i32) -> (i32, i32) {
    %c0_i32 = arith.constant 0 : i32
    %c0_i32_0 = arith.constant 0 : i32
    return %arg0, %c0_i32 : i32, i32
  }
  func.func @transform_3(%arg0: i32) -> (i32, i32) {
    %c0_i32 = arith.constant 0 : i32
    %c0_i32_0 = arith.constant 0 : i32
    %c0_i32_1 = arith.constant 0 : i32
    return %c0_i32, %c0_i32_0 : i32, i32
  }
  func.func @transform_4(%arg0: i32) -> (i32, i32) {
    %c0_i32 = arith.constant 0 : i32
    %c0_i32_0 = arith.constant 0 : i32
    %c0_i32_1 = arith.constant 0 : i32
    return %c0_i32, %c0_i32_0 : i32, i32
  }
  func.func @transform_5(%arg0: i32) -> (i32, i32) {
    %c0_i32 = arith.constant 0 : i32
    %c0_i32_0 = arith.constant 0 : i32
    %c0_i32_1 = arith.constant 0 : i32
    return %c0_i32, %c0_i32_0 : i32, i32
  }
  func.func @transform_6(%arg0: i32) -> (i32, i32) {
    %c0_i32 = arith.constant 0 : i32
    %c0_i32_0 = arith.constant 0 : i32
    %c0_i32_1 = arith.constant 0 : i32
    return %c0_i32, %c0_i32_0 : i32, i32
  }
  func.func @transform_7(%arg0: i32) -> (i32, i32) {
    %c0_i32 = arith.constant 0 : i32
    %c0_i32_0 = arith.constant 0 : i32
    return %arg0, %c0_i32 : i32, i32
  }
}

module attributes {stable_mosaic.version = 14 : i64} {
  func.func @_node_mlp_body(%arg0: i32, %arg1: memref<2000x128xf32, #tpu.memory_space<vmem>>, %arg2: memref<2000x128xf32, #tpu.memory_space<vmem>>, %arg3: memref<2000x128xf32, #tpu.memory_space<vmem>>, %arg4: memref<128x128xf32, #tpu.memory_space<vmem>>, %arg5: memref<128x128xf32, #tpu.memory_space<vmem>>, %arg6: memref<128x128xf32, #tpu.memory_space<vmem>>, %arg7: memref<4x128xf32, #tpu.memory_space<vmem>>, %arg8: memref<2000x128xf32, #tpu.memory_space<vmem>>) attributes {dimension_semantics = [#tpu.dimension_semantics<arbitrary>], iteration_bounds = array<i64: 5>, scalar_prefetch = 0 : i64, scratch_operands = 0 : i64, tpu.core_type = #tpu.core_type<tc>, window_params = [{transform_indices = @transform_0, window_bounds = array<i64: 2000, 128>}, {transform_indices = @transform_1, window_bounds = array<i64: 2000, 128>}, {transform_indices = @transform_2, window_bounds = array<i64: 2000, 128>}, {pipeline_mode = #tpu.pipeline_mode<synchronous>, transform_indices = @transform_3, window_bounds = array<i64: 128, 128>}, {pipeline_mode = #tpu.pipeline_mode<synchronous>, transform_indices = @transform_4, window_bounds = array<i64: 128, 128>}, {pipeline_mode = #tpu.pipeline_mode<synchronous>, transform_indices = @transform_5, window_bounds = array<i64: 128, 128>}, {pipeline_mode = #tpu.pipeline_mode<synchronous>, transform_indices = @transform_6, window_bounds = array<i64: 4, 128>}, {transform_indices = @transform_7, window_bounds = array<i64: 2000, 128>}]} {
    %get3A = arith.constant 0 : index
    %get3A_0 = arith.constant 0 : index
    %get3A_1 = vector.load %arg1[%get3A, %get3A_0] : memref<2000x128xf32, #tpu.memory_space<vmem>>, vector<2000x128xf32>
    %get3A_2 = arith.constant 0 : index
    %get3A_3 = arith.constant 0 : index
    %get3A_4 = vector.load %arg2[%get3A_2, %get3A_3] : memref<2000x128xf32, #tpu.memory_space<vmem>>, vector<2000x128xf32>
    %get3A_5 = arith.constant 0 : index
    %get3A_6 = arith.constant 0 : index
    %get3A_7 = vector.load %arg3[%get3A_5, %get3A_6] : memref<2000x128xf32, #tpu.memory_space<vmem>>, vector<2000x128xf32>
    %add3A = arith.addf %get3A_4, %get3A_7 : vector<2000x128xf32>
    %get3A_8 = arith.constant 0 : index
    %get3A_9 = arith.constant 0 : index
    %get3A_10 = vector.load %arg4[%get3A_8, %get3A_9] : memref<128x128xf32, #tpu.memory_space<vmem>>, vector<128x128xf32>
    %dot_general3A = arith.constant dense<0.000000e+00> : vector<2000x128xf32>
    %dot_general3A_11 = tpu.matmul %get3A_1, %get3A_10, %dot_general3A {dimension_numbers = #tpu.dot_dimension_numbers<[1], [0], [0], [1], [0, 0, 1, 1], [], []>, transpose_lhs_hint = false} : vector<2000x128xf32>, vector<128x128xf32>, vector<2000x128xf32> -> vector<2000x128xf32>
    %get3A_12 = arith.constant 0 : index
    %get3A_13 = arith.constant 0 : index
    %get3A_14 = vector.load %arg5[%get3A_12, %get3A_13] : memref<128x128xf32, #tpu.memory_space<vmem>>, vector<128x128xf32>
    %dot_general3A_15 = arith.constant dense<0.000000e+00> : vector<2000x128xf32>
    %dot_general3A_16 = tpu.matmul %add3A, %get3A_14, %dot_general3A_15 {dimension_numbers = #tpu.dot_dimension_numbers<[1], [0], [0], [1], [0, 0, 1, 1], [], []>, transpose_lhs_hint = false} : vector<2000x128xf32>, vector<128x128xf32>, vector<2000x128xf32> -> vector<2000x128xf32>
    %add3A_17 = arith.addf %dot_general3A_11, %dot_general3A_16 : vector<2000x128xf32>
    %get3A_18 = arith.constant 0 : index
    %get3A_19 = arith.constant 0 : index
    %get3A_20 = vector.load %arg7[%get3A_18, %get3A_19] : memref<4x128xf32, #tpu.memory_space<vmem>>, vector<1x128xf32>
    %get3A_21 = vector.shape_cast %get3A_20 : vector<1x128xf32> to vector<128xf32>
    %broadcast_in_dim3A = vector.shape_cast %get3A_21 : vector<128xf32> to vector<1x128xf32>
    %add3A_22 = vector.broadcast %broadcast_in_dim3A : vector<1x128xf32> to vector<2000x128xf32>
    %add3A_23 = arith.addf %add3A_17, %add3A_22 : vector<2000x128xf32>
    %logistic3A = arith.negf %add3A_23 : vector<2000x128xf32>
    %logistic3A_24 = math.exp %logistic3A : vector<2000x128xf32>
    %logistic3A_25 = arith.constant 1.000000e+00 : f32
    %logistic3A_26 = vector.broadcast %logistic3A_25 : f32 to vector<2000x128xf32>
    %logistic3A_27 = arith.addf %logistic3A_26, %logistic3A_24 : vector<2000x128xf32>
    %logistic3A_28 = arith.divf %logistic3A_26, %logistic3A_27 : vector<2000x128xf32>
    %mul3A = arith.mulf %add3A_23, %logistic3A_28 : vector<2000x128xf32>
    %get3A_29 = arith.constant 0 : index
    %get3A_30 = arith.constant 0 : index
    %get3A_31 = vector.load %arg6[%get3A_29, %get3A_30] : memref<128x128xf32, #tpu.memory_space<vmem>>, vector<128x128xf32>
    %dot_general3A_32 = arith.constant dense<0.000000e+00> : vector<2000x128xf32>
    %dot_general3A_33 = tpu.matmul %mul3A, %get3A_31, %dot_general3A_32 {dimension_numbers = #tpu.dot_dimension_numbers<[1], [0], [0], [1], [0, 0, 1, 1], [], []>, transpose_lhs_hint = false} : vector<2000x128xf32>, vector<128x128xf32>, vector<2000x128xf32> -> vector<2000x128xf32>
    %get3A_34 = arith.constant 1 : index
    %get3A_35 = arith.constant 0 : index
    %get3A_36 = vector.load %arg7[%get3A_34, %get3A_35] : memref<4x128xf32, #tpu.memory_space<vmem>>, vector<1x128xf32>
    %get3A_37 = vector.shape_cast %get3A_36 : vector<1x128xf32> to vector<128xf32>
    %broadcast_in_dim3A_38 = vector.shape_cast %get3A_37 : vector<128xf32> to vector<1x128xf32>
    %add3A_39 = vector.broadcast %broadcast_in_dim3A_38 : vector<1x128xf32> to vector<2000x128xf32>
    %add3A_40 = arith.addf %dot_general3A_33, %add3A_39 : vector<2000x128xf32>
    %reduce_sum3A = arith.constant dense<0.000000e+00> : vector<2000xf32>
    %reduce_sum3A_41 = vector.multi_reduction <add>, %add3A_40, %reduce_sum3A [1] : vector<2000x128xf32> to vector<2000xf32>
    %broadcast_in_dim3A_42 = vector.shape_cast %reduce_sum3A_41 : vector<2000xf32> to vector<2000x1xf32>
    %div3A = arith.constant 1.280000e+02 : f32
    %div3A_43 = vector.broadcast %div3A : f32 to vector<2000x1xf32>
    %div3A_44 = arith.divf %broadcast_in_dim3A_42, %div3A_43 : vector<2000x1xf32>
    %sub3A = vector.broadcast %div3A_44 : vector<2000x1xf32> to vector<2000x128xf32>
    %sub3A_45 = arith.subf %add3A_40, %sub3A : vector<2000x128xf32>
    %integer_pow3A = arith.mulf %sub3A_45, %sub3A_45 : vector<2000x128xf32>
    %reduce_sum3A_46 = arith.constant dense<0.000000e+00> : vector<2000xf32>
    %reduce_sum3A_47 = vector.multi_reduction <add>, %integer_pow3A, %reduce_sum3A_46 [1] : vector<2000x128xf32> to vector<2000xf32>
    %broadcast_in_dim3A_48 = vector.shape_cast %reduce_sum3A_47 : vector<2000xf32> to vector<2000x1xf32>
    %div3A_49 = arith.constant 1.280000e+02 : f32
    %div3A_50 = vector.broadcast %div3A_49 : f32 to vector<2000x1xf32>
    %div3A_51 = arith.divf %broadcast_in_dim3A_48, %div3A_50 : vector<2000x1xf32>
    %sub3A_52 = vector.broadcast %div3A_44 : vector<2000x1xf32> to vector<2000x128xf32>
    %sub3A_53 = arith.subf %add3A_40, %sub3A_52 : vector<2000x128xf32>
    %add3A_54 = arith.constant 9.99999974E-6 : f32
    %add3A_55 = vector.broadcast %add3A_54 : f32 to vector<2000x1xf32>
    %add3A_56 = arith.addf %div3A_51, %add3A_55 : vector<2000x1xf32>
    %rsqrt3A = math.rsqrt %add3A_56 : vector<2000x1xf32>
    %mul3A_57 = vector.broadcast %rsqrt3A : vector<2000x1xf32> to vector<2000x128xf32>
    %mul3A_58 = arith.mulf %sub3A_53, %mul3A_57 : vector<2000x128xf32>
    %get3A_59 = arith.constant 2 : index
    %get3A_60 = arith.constant 0 : index
    %get3A_61 = vector.load %arg7[%get3A_59, %get3A_60] : memref<4x128xf32, #tpu.memory_space<vmem>>, vector<1x128xf32>
    %get3A_62 = vector.shape_cast %get3A_61 : vector<1x128xf32> to vector<128xf32>
    %broadcast_in_dim3A_63 = vector.shape_cast %get3A_62 : vector<128xf32> to vector<1x128xf32>
    %mul3A_64 = vector.broadcast %broadcast_in_dim3A_63 : vector<1x128xf32> to vector<2000x128xf32>
    %mul3A_65 = arith.mulf %mul3A_58, %mul3A_64 : vector<2000x128xf32>
    %get3A_66 = arith.constant 3 : index
    %get3A_67 = arith.constant 0 : index
    %get3A_68 = vector.load %arg7[%get3A_66, %get3A_67] : memref<4x128xf32, #tpu.memory_space<vmem>>, vector<1x128xf32>
    %get3A_69 = vector.shape_cast %get3A_68 : vector<1x128xf32> to vector<128xf32>
    %broadcast_in_dim3A_70 = vector.shape_cast %get3A_69 : vector<128xf32> to vector<1x128xf32>
    %add3A_71 = vector.broadcast %broadcast_in_dim3A_70 : vector<1x128xf32> to vector<2000x128xf32>
    %add3A_72 = arith.addf %mul3A_65, %add3A_71 : vector<2000x128xf32>
    %add3A_73 = arith.addf %add3A_72, %get3A_1 : vector<2000x128xf32>
    %swap3A = arith.constant 0 : index
    %swap3A_74 = arith.constant 0 : index
    %swap3A_75 = vector.load %arg8[%swap3A, %swap3A_74] : memref<2000x128xf32, #tpu.memory_space<vmem>>, vector<2000x128xf32>
    tpu.vector_store %arg8[%swap3A, %swap3A_74], %add3A_73 {strides = array<i32>} : memref<2000x128xf32, #tpu.memory_space<vmem>>, vector<2000x128xf32>,
    return
  }
  func.func @transform_0(%arg0: i32) -> (i32, i32) {
    %c0_i32 = arith.constant 0 : i32
    %c0_i32_0 = arith.constant 0 : i32
    return %arg0, %c0_i32 : i32, i32
  }
  func.func @transform_1(%arg0: i32) -> (i32, i32) {
    %c0_i32 = arith.constant 0 : i32
    %c0_i32_0 = arith.constant 0 : i32
    return %arg0, %c0_i32 : i32, i32
  }
  func.func @transform_2(%arg0: i32) -> (i32, i32) {
    %c0_i32 = arith.constant 0 : i32
    %c0_i32_0 = arith.constant 0 : i32
    return %arg0, %c0_i32 : i32, i32
  }
  func.func @transform_3(%arg0: i32) -> (i32, i32) {
    %c0_i32 = arith.constant 0 : i32
    %c0_i32_0 = arith.constant 0 : i32
    %c0_i32_1 = arith.constant 0 : i32
    return %c0_i32, %c0_i32_0 : i32, i32
  }
  func.func @transform_4(%arg0: i32) -> (i32, i32) {
    %c0_i32 = arith.constant 0 : i32
    %c0_i32_0 = arith.constant 0 : i32
    %c0_i32_1 = arith.constant 0 : i32
    return %c0_i32, %c0_i32_0 : i32, i32
  }
  func.func @transform_5(%arg0: i32) -> (i32, i32) {
    %c0_i32 = arith.constant 0 : i32
    %c0_i32_0 = arith.constant 0 : i32
    %c0_i32_1 = arith.constant 0 : i32
    return %c0_i32, %c0_i32_0 : i32, i32
  }
  func.func @transform_6(%arg0: i32) -> (i32, i32) {
    %c0_i32 = arith.constant 0 : i32
    %c0_i32_0 = arith.constant 0 : i32
    %c0_i32_1 = arith.constant 0 : i32
    return %c0_i32, %c0_i32_0 : i32, i32
  }
  func.func @transform_7(%arg0: i32) -> (i32, i32) {
    %c0_i32 = arith.constant 0 : i32
    %c0_i32_0 = arith.constant 0 : i32
    return %arg0, %c0_i32 : i32, i32
  }
}

</mosaic_0001>

<sc_bundles>
// kernel: kernel.12.cloned.1.call-start
scs
__scs_entry_jumppad:
0x0: {  	(pc) =	sbr.rel $0x88, $3  }
0x1: {  	(tag) =	ssettag $0x0;
	lr =	simm.s32 $0x1  }
0x2: {  	[smem:$0x3F92] =	sst lr;
	_ =	strace $0xD0000000  }
0x3: {  	_ = 	snop  }
0x4: {  	_ = 	snop  }
0x5: {  	_ = 	snop  }
0x6: {  	_ = 	snop  }
0x7: {  	_ = 	snop  }
__scs_overlays_trampoline_lowered:
0x8: {  	[smem:$0x3FA1] =	sst s0  }
0x9: {  	[smem:$0x3FA2] =	sst s1  }
0xa: {  	[smem:$0x3FA3] =	sst s2  }
0xb: {  	[smem:$0x3FA4] =	sst s3  }
0xc: {  	[smem:$0x3FA5] =	sst s4  }
0xd: {  	[smem:$0x3FA6] =	sst s5  }
0xe: {  	[smem:$0x3FA7] =	sst s6  }
0xf: {  	[smem:$0x3FA8] =	sst s7  }
0x10: {  	[smem:$0x3FA9] =	sst s8  }
0x11: {  	[smem:$0x3FAA] =	sst s9;
	s0 =	simm.s32 @!p0 $0x0  }
0x12: {  	s1 =	sld [smem:$0x3F90];
	s0 =	simm.s32 @p0 $0x1  }
0x13: {  	[smem:$0x3FAB] =	sst s0;
	s0 =	simm.s32 @!p1 $0x0  }
0x14: {  	s2 =	sld [smem:$0x3F8F];
	s0 =	simm.s32 @p1 $0x1  }
0x15: {  	[smem:$0x3FAC] =	sst s0;
	s0 =	simm.s32 @!p2 $0x0  }
0x16: {  	s3 =	sld [smem:$0x3FDB];
	s0 =	simm.s32 @p2 $0x1  }
0x17: {  	s4 =	simm.s32 $0x1BF5;
	[smem:$0x3FAE] =	sst s0  }
0x18: {  	s0 =	sld [smem:$0x3F91];
	_ =	swait.ge [sflag:s4], $0x0  }
0x19: {  	s7 =	sld [smem:$0x3F92]  }
0x1a: {  	s8 =	sadd.s32 $0xFFFFE003, lr  }
0x1b: {  	s9 =	sadd.s32 $0xFFFFFEF7, lr;
	s5 =	simm.s32 $0xFFFFFFFF;
	p2 =	slt.u32 s8, $0xFFFFF086  }
0x1c: {  	p1 =	slt.u32 s9, $0xF7A;
	s5 =	simm.s32 @!p2 $0x0  }
0x1d: {  	s5 =	simm.s32 @p1 $0x1;
	p0 =	seq.s32 s7, s2  }
0x1e: {  	s7 =	smul.u32 @!p0 $0xF7A, s2;
	p2 =	seq.s32 @!p0 s5, $0x0  }
0x1f: {  	s9 =	smul.u32 $0xF7A, s1;
	s8 =	simm.s32 @!p0 $0x1BF5;
	p2 =	por !p2, p0  }
0x20: {  	[sflag:s8] =	ssyncset.s32 @!p0 $0xFFFFF086;
	s6 =	sadd.s32 @!p0 s3, s7;
	s7 =	simm.s32 @!p0 $0x108  }
0x21: {  	s3 =	sadd.s32 s3, s9;
	s6 =	sadd.s32 @!p0 $0x88, s6;
	s7 =	simm.s32 @p2 $0x1082  }
0x22: {  	[simem:s7], [sflag:s8] =	dma.local @!p0 [hbm:s6], $0xF7A  }
0x23: {  	s9 =	sor.u32 $0xD0000000, s2;
	s6 =	simm.s32 $0x108;
	_ =	swait.ge @!p0 [sflag:s8], $0x0  }
0x24: {  	s3 =	sadd.s32 $0x88, s3;
	s6 =	simm.s32 @!p1 $0x1082;
	[sflag:s4] =	ssyncset.s32 $0xFFFFF086  }
0x25: {  	[simem:s6], [sflag:s4] =	dma.local [hbm:s3], $0xF7A  }
0x26: {  	[smem:$0x3F92] =	sst s1;
	(tag) =	ssettag s2;
	_ =	strace s9  }
0x27: {  	s1 =	sld [smem:$0x3FA2]  }
0x28: {  	s2 =	sld [smem:$0x3FA3]  }
0x29: {  	s4 =	sld [smem:$0x3FA5]  }
0x2a: {  	p0 =	seq.s32 s5, $0x0;
	s5 =	sld [smem:$0x3FA6]  }
0x2b: {  	s6 =	sld [smem:$0x3FA7]  }
0x2c: {  	s7 =	sld [smem:$0x3FA8]  }
0x2d: {  	s3 =	simm.s32 $0x108;
	s8 =	sld [smem:$0x3FA9]  }
0x2e: {  	s3 =	simm.s32 @!p0 $0x1082;
	s9 =	sld [smem:$0x3FAA]  }
0x2f: {  	lr =	sadd.s32 s0, s3;
	s0 =	sld [smem:$0x3FA1]  }
0x30: {  	s3 =	sld [smem:$0x3FA4]  }
0x31: {  	[smem:$0x3FAD] =	sst s10  }
0x32: {  	s10 =	sld [smem:$0x3FAB];
	_ =	sdelay $0x3  }
0x33: {  	p0 =	seq.s32 s10, $0x1;
	s10 =	sld [smem:$0x3FAD];
	_ =	sdelay $0x3  }
0x34: {  	[smem:$0x3FAD] =	sst s10  }
0x35: {  	s10 =	sld [smem:$0x3FAC];
	_ =	sdelay $0x3  }
0x36: {  	p1 =	seq.s32 s10, $0x1;
	s10 =	sld [smem:$0x3FAD];
	_ =	sdelay $0x3  }
0x37: {  	[smem:$0x3FAD] =	sst s10  }
0x38: {  	s10 =	sld [smem:$0x3FAE]  }
0x39: {  	_ = 	snop;
	(pc) =	sbr.ind lr, $3  }
0x3a: {  	_ = 	snop  }
0x3b: {  	_ = 	snop  }
0x3c: {  	p2 =	seq.s32 s10, $0x1;
	s10 =	sld [smem:$0x3FAD]  }
0x3d: {  	_ =	shalt  }
0x3e: {  	_ =	shalt  }
0x3f: {  	_ =	shalt  }
0x40: {  	_ =	shalt  }
0x41: {  	_ =	shalt  }
0x42: {  	_ =	shalt  }
0x43: {  	_ =	shalt  }
0x44: {  	_ =	shalt  }
0x45: {  	_ =	shalt  }
0x46: {  	_ =	shalt  }
0x47: {  	_ =	shalt  }
0x48: {  	_ =	shalt  }
0x49: {  	_ =	shalt  }
0x4a: {  	_ =	shalt  }
0x4b: {  	_ =	shalt  }
0x4c: {  	_ =	shalt  }
0x4d: {  	_ =	shalt  }
0x4e: {  	_ =	shalt  }
0x4f: {  	_ =	shalt  }
0x50: {  	_ =	shalt  }
0x51: {  	_ =	shalt  }
0x52: {  	_ =	shalt  }
0x53: {  	_ =	shalt  }
0x54: {  	_ =	shalt  }
0x55: {  	_ =	shalt  }
0x56: {  	_ =	shalt  }
0x57: {  	_ =	shalt  }
0x58: {  	_ =	shalt  }
0x59: {  	_ =	shalt  }
0x5a: {  	_ =	shalt  }
0x5b: {  	_ =	shalt  }
0x5c: {  	_ =	shalt  }
0x5d: {  	_ =	shalt  }
0x5e: {  	_ =	shalt  }
0x5f: {  	_ =	shalt  }
0x60: {  	_ =	shalt  }
0x61: {  	_ =	shalt  }
0x62: {  	_ =	shalt  }
0x63: {  	_ =	shalt  }
0x64: {  	_ =	shalt  }
0x65: {  	_ =	shalt  }
0x66: {  	_ =	shalt  }
0x67: {  	_ =	shalt  }
0x68: {  	_ =	shalt  }
0x69: {  	_ =	shalt  }
0x6a: {  	_ =	shalt  }
0x6b: {  	_ =	shalt  }
0x6c: {  	_ =	shalt  }
0x6d: {  	_ =	shalt  }
0x6e: {  	_ =	shalt  }
0x6f: {  	_ =	shalt  }
0x70: {  	_ =	shalt  }
0x71: {  	_ =	shalt  }
0x72: {  	_ =	shalt  }
0x73: {  	_ =	shalt  }
0x74: {  	_ =	shalt  }
0x75: {  	_ =	shalt  }
0x76: {  	_ =	shalt  }
0x77: {  	_ =	shalt  }
0x78: {  	_ =	shalt  }
0x79: {  	_ =	shalt  }
0x7a: {  	_ =	shalt  }
0x7b: {  	_ =	shalt  }
0x7c: {  	_ =	shalt  }
0x7d: {  	_ =	shalt  }
0x7e: {  	_ =	shalt  }
0x7f: {  	_ =	shalt  }
0x80: {  	_ =	shalt  }
0x81: {  	_ =	shalt  }
0x82: {  	_ =	shalt  }
0x83: {  	_ =	shalt  }
0x84: {  	_ =	shalt  }
0x85: {  	_ =	shalt  }
0x86: {  	_ =	shalt  }
0x87: {  	_ =	shalt  }
.Lfunc_end0:
.L_simem_size_0:
called_computation_lowered:
.L_overlay_start_0:
0x88: {  	s2 =	sld [smem:$0x3FD9]  }
0x89: {  	s3 =	sld [smem:$0x3FFE];
	_ =	sdelay $0x1  }
0x8a: {  	s1 =	srdreg.scid  }
0x8b: {  	s0 =	sand.u32 $0x1, s1  }
0x8c: {  	s17 =	sshll.u32 s0, $0xA;
	s2 =	sadd.s32 s3, s2  }
0x8d: {  	s2 =	sadd.s32 s2, s17  }
0x8e: {  	[smem:$0x3FB9] =	sst s2  }
0x8f: {  	_ = 	snop  }
0x90: {  	s2 =	sld [smem:$0x3FD0];
	(tm) =	ssettm $0x1  }
0x91: {  	s18 =	sld [smem:$0x3FFB];
	_ =	sdelay $0x3  }
0x92: {  	_ =	strace s18  }
0x93: {  	s3 =	sld [smem:$0x3FFC];
	_ =	sdelay $0x3  }
0x94: {  	_ =	strace s3  }
0x95: {  	s3 =	sld [smem:$0x3FFD];
	_ =	sdelay $0x3  }
0x96: {  	_ =	strace s3  }
0x97: {  	_ =	strace $0x8FFFFFFF  }
0x98: {  	s19 =	sld [smem:$0x3FDB];
	_ =	sdelay $0x1  }
0x99: {  	s4 =	simm.s32 $_scs_section_size  }
0x9a: {  	s5 =	simm.s32 $_size__tile_overlayer_lowered;
	s6 =	simm.s32 $_tile_overlayer_lowered  }
0x9b: {  	s22 =	simm.s32 $0x1BFF;
	s21 =	sshll.u32 s6, $0x1;
	s3 =	sadd.s32 s4, s19  }
0x9c: {  	s7 =	simm.s32 $0x0;
	s20 =	sshll.u32 s5, $0x1;
	s5 =	sadd.s32 s21, s3  }
0x9d: {  	[timem:s7], [sflag:s22] =	dma.local [hbm:s5], s20  }
0x9e: {  	_ =	swait.ge [sflag:s22], s20  }
0x9f: {  	s4 =	ssub.s32 $0x0, s20;
	[sflag:s22] =	ssyncset.done $0x0  }
0xa0: {  	[sflag:s22] =	ssyncadd.s32 s4;
	_ =	sdelay $0x1  }
0xa1: {  	s23 =	simm.s32 $0x1B8B  }
0xa2: {  	_ =	swait.ge [sflag:s23], $0x1  }
0xa3: {  	[sflag:s23] =	ssyncset.done $0x0  }
0xa4: {  	s25 =	simm.s32 $0x1B8E;
	s24 =	sld [smem:$0x3FFE];
	[sflag:s23] =	ssyncadd.s32 $0xFFFFFFFF  }
0xa5: {  	s26 =	simm.s32 $execute0_lowered;
	[smem:$0x3FD2] =	sst s25  }
0xa6: {  	s5 =	sshll.u32 s26, $0x1;
	_ =	strace $0x80000046;
	[dreg:$0x1] =	wrdreg $0xFFFFFFFF  }
0xa7: {  	s28 =	simm.s32 $_size_execute0_lowered;
	s3 =	sadd.s32 s3, s5;
	[dreg:$0x0] =	wrdreg $0x0  }
0xa8: {  	s5 =	sshll.u32 s28, $0x1;
	[dreg:$0x2] =	wrdreg s3  }
0xa9: {  	[dreg:$0x3] =	wrdreg s5  }
0xaa: {  	[dreg:$0x4] =	wrdreg $0xC0  }
0xab: {  	_ =	task [dreg:s7], $0x5FFFF  }
0xac: {  	[dreg:$0x1] =	wrdreg $0xFFFFFFFF  }
0xad: {  	[dreg:$0x0] =	wrdreg $0x60  }
0xae: {  	[dreg:$0x2] =	wrdreg s2  }
0xaf: {  	[dreg:$0x3] =	wrdreg s24  }
0xb0: {  	[dreg:$0x4] =	wrdreg $0x9  }
0xb1: {  	_ =	task.clear_ibuf [dreg:s7], $0x5FFFF;
	_ =	strace $0x90000046  }
0xb2: {  	s29 =	simm.s32 $0x9;
	_ =	strace $0x80000048  }
0xb3: {  	_ =	swait.ge [sflag:s29], $0x1  }
0xb4: {  	[sflag:s29] =	ssyncadd.s32 $0xFFFFFFFF  }
0xb5: {  	_ =	strace $0x90000048  }
0xb6: {  	_ =	sfence  }
0xb7: {  	s30 =	sld [smem:$0x0];
	_ =	sdelay $0x2  }
0xb8: {  	s31 =	sshll.u32 s1, $0xD;
	s1 =	sshrl.u32 s1, $0x2  }
0xb9: {  	s3 =	sand.u32 $0x4000, s31;
	s1 =	sadd.s32 s1, s30  }
0xba: {  	s0 =	sor.u32 s3, s0;
	s1 =	sshll.u32 s1, $0x11  }
0xbb: {  	s0 =	sor.u32 s1, s0  }
0xbc: {  	s0 =	sadd.s32 $0x8F2B, s0  }
0xbd: {  	[sflag:s0] =	ssyncadd.remote.s32 $0x1  }
0xbe: {  	_ =	sfence.sel $0xFFFF  }
0xbf: {  	[dreg:$0x0] =	wrdreg $0xFFFFFFFF;
	(pc) =	sbr.abs _section_cstart, $3  }
0xc0: {  	[dreg:$0x1] =	wrdreg $0xFFFFFFFF  }
0xc1: {  	_ =	task.clear_ibuf [dreg:s7], $0x2FFFF;
	_ =	strace $0x9FFFFFFF  }
0xc2: {  	(tm) =	ssettm $0x7FFFFFFF  }
0xc3: {  	_ =	shalt  }
tec
execute0_lowered:
.L_overlay_start_1:
0x0: {  	(tag) =	ssettag $0x1  }
0x1: {  	s1 =	rddreg [dreg:$0x0]  }
0x2: {  	s4 =	rddreg [dreg:$0x1]  }
0x3: {  	s0 =	rddreg [dreg:$0x2];
	s2 =	simm.s32 $0x0;
	s3 =	srdreg.scid  }
0x4: {  	[smem:$0x7FF] =	sst s2;
	s5 =	sand.u32 $0x1, s3  }
0x5: {  	s3 =	sadd.s32 $0x12800, s4;
	_ =	strace $0x80000047;
	s6 =	sshll.u32 s5, $0x8  }
0x6: {  	s7 =	sshll.u32 s5, $0xF;
	s8 =	ssub.s32 $0x2, s5;
	s6 =	sadd.s32 s6, s4  }
0x7: {  	s9 =	sadd.s32 s7, s4;
	s4 =	stileid.u32;
	s28 =	sshrl.u32 s8, $0x1  }
0x8: {  	s10 =	sshll.u32 s5, $0x4;
	s7 =	ssub.s32 s8, s28;
	s29 =	sshll.u32 s4, $0x4  }
0x9: {  	s31 =	sshll.u32 s4, $0xB;
	s10 =	sor.u32 s10, s4;
	s30 =	sadd.s32 s29, s6  }
0xa: {  	s5 =	smax.u32 s7, $0x1;
	s9 =	sadd.s32 s31, s9;
	s6 =	sadd.s32 $0xC800, s30  }
0xb: {  	s7 =	sadd.s32 $0x7800, s30;
	s8 =	sadd.s32 $0x2AAA00, s9;
	s9 =	sadd.s32 $0x39A00, s9  }
.LBB2_1:
0xc: {  	p0 =	sgt.u32 s10, $0x4E1  }
0xd: {  	s11 =	sadd.s32 @!p0 $0x0, s7;
	s12 =	simm.s32 @!p0 $0x0;
	s15 =	simm.s32 @!p0 $0x4  }
0xe: {  	[tilespmem:s12], [sflag:$0x4] =	stream.linear.gather @!p0 [hbm4b:s11+s12], $0x80, $0x38;
	[tilespmem:$0x8100] =	vst v63  }
0xf: {  	_ =	swait.ge @!p0 [sflag:s15], $0x80;
	p0 =	por p0, p0  }
0x10: {  	[sflag:s15] =	ssyncset.done @!p0 $0x0  }
0x11: {  	s11 =	sadd.s32 @!p0 $0x0, s6;
	s13 =	simm.s32 @!p0 $0x80;
	[sflag:s15] =	ssyncadd.s32 @!p0 $0xFFFFFF80  }
0x12: {  	[tilespmem:s13], [sflag:$0x4] =	stream.linear.gather @!p0 [hbm4b:s11+s12], $0x80, $0x38;
	[tilespmem:$0x8100] =	vst v63  }
0x13: {  	_ =	swait.ge @!p0 [sflag:s15], $0x80  }
0x14: {  	[sflag:s15] =	ssyncset.done @!p0 $0x0  }
0x15: {  	s11 =	simm.s32 @!p0 $0x100;
	[sflag:s15] =	ssyncadd.s32 @!p0 $0xFFFFFF80  }
0x16: {  	[tilespmem:s11], [sflag:$0x1] =	stream.indirect.gather @!p0 [hbm4b:s1+s13], $0x80, s12, s13, $0xb8;
	[tilespmem:$0x8100] =	vst v63  }
0x17: {  	s16 =	simm.s32 @!p0 $0x4100;
	s14 =	simm.s32 @!p0 $0x1  }
0x18: {  	[tilespmem:s16], [sflag:$0x2] =	stream.indirect.gather @!p0 [hbm4b:s3+s13], $0x80, s13, s13, $0xb8;
	[tilespmem:$0x8100] =	vst v63  }
0x19: {  	_ =	swait.ge @!p0 [sflag:s14], $0x4000  }
0x1a: {  	[sflag:s14] =	ssyncset.done @!p0 $0x0  }
0x1b: {  	s13 =	simm.s32 @!p0 $0x2;
	[sflag:s14] =	ssyncadd.s32 @!p0 $0xFFFFC000  }
0x1c: {  	_ =	swait.ge @!p0 [sflag:s13], $0x4000  }
0x1d: {  	[sflag:s13] =	ssyncset.done @!p0 $0x0  }
0x1e: {  	[sflag:s13] =	ssyncadd.s32 @!p0 $0xFFFFC000  }
0x1f: {  	[hbm4b:s9+s12] =	stream.linear.scatter @!p0 [tilespmem:s11], [sflag:$0x4], $0x4000, $0x38;
	[tilespmem:$0x8100] =	vst v63  }
0x20: {  	_ =	swait.ge @!p0 [sflag:s15], $0x4000  }
0x21: {  	[sflag:s15] =	ssyncset.done @!p0 $0x0  }
0x22: {  	s14 =	simm.s32 $0x400;
	s13 =	simm.s32 $0x200;
	[sflag:s15] =	ssyncadd.s32 @!p0 $0xFFFFC000  }
0x23: {  	[hbm4b:s8+s12] =	stream.linear.scatter @!p0 [tilespmem:s16], [sflag:$0x3], $0x4000, $0x38;
	[tilespmem:$0x8100] =	vst v63  }
0x24: {  	s11 =	sadd.s32 $0x10000, s9;
	s15 =	sadd.s32 $0x20, s10;
	s16 =	simm.s32 @!p0 $0x3  }
0x25: {  	p2 =	sgt.u32 s15, $0x4E1;
	s12 =	sadd.s32 $0x10000, s8;
	_ =	swait.ge @!p0 [sflag:s16], $0x4000  }
.LBB2_2:
0x26: {  	s17 =	sadd.s32 @!p2 s13, s7  }
0x27: {  	s18 =	simm.s32 @!p2 $0x0;
	[sflag:s16] =	ssyncset.done @!p0 $0x0;
	s19 =	smov.u32 s14  }
0x28: {  	s14 =	sadd.s32 $0x200, s14;
	s20 =	simm.s32 @!p2 $0x4;
	[sflag:s16] =	ssyncadd.s32 @!p0 $0xFFFFC000  }
0x29: {  	[tilespmem:s18], [sflag:$0x4] =	stream.linear.gather @!p2 [hbm4b:s17+s18], $0x80, $0x38;
	[tilespmem:$0x8100] =	vst v63  }
0x2a: {  	p1 =	sne.s32 s14, $0x5000;
	p0 =	por p2, p2;
	_ =	swait.ge @!p2 [sflag:s20], $0x80  }
0x2b: {  	[sflag:s20] =	ssyncset.done @!p0 $0x0  }
0x2c: {  	s13 =	sadd.s32 @!p0 s13, s6;
	s16 =	simm.s32 @!p0 $0x80;
	[sflag:s20] =	ssyncadd.s32 @!p0 $0xFFFFFF80  }
0x2d: {  	[tilespmem:s16], [sflag:$0x4] =	stream.linear.gather @!p0 [hbm4b:s13+s18], $0x80, $0x38;
	[tilespmem:$0x8100] =	vst v63  }
0x2e: {  	s13 =	smov.u32 s19;
	_ =	swait.ge @!p0 [sflag:s20], $0x80  }
0x2f: {  	[sflag:s20] =	ssyncset.done @!p0 $0x0  }
0x30: {  	s17 =	simm.s32 @!p0 $0x100;
	[sflag:s20] =	ssyncadd.s32 @!p0 $0xFFFFFF80  }
0x31: {  	[tilespmem:s17], [sflag:$0x1] =	stream.indirect.gather @!p0 [hbm4b:s1+s16], $0x80, s18, s16, $0xb8;
	[tilespmem:$0x8100] =	vst v63  }
0x32: {  	s21 =	simm.s32 @!p0 $0x1;
	s19 =	simm.s32 @!p0 $0x4100  }
0x33: {  	[tilespmem:s19], [sflag:$0x2] =	stream.indirect.gather @!p0 [hbm4b:s3+s16], $0x80, s16, s16, $0xb8;
	[tilespmem:$0x8100] =	vst v63  }
0x34: {  	_ =	swait.ge @!p0 [sflag:s21], $0x4000  }
0x35: {  	[sflag:s21] =	ssyncset.done @!p0 $0x0  }
0x36: {  	s16 =	simm.s32 @!p0 $0x2;
	[sflag:s21] =	ssyncadd.s32 @!p0 $0xFFFFC000  }
0x37: {  	_ =	swait.ge @!p0 [sflag:s16], $0x4000  }
0x38: {  	[sflag:s16] =	ssyncset.done @!p0 $0x0  }
0x39: {  	[sflag:s16] =	ssyncadd.s32 @!p0 $0xFFFFC000  }
0x3a: {  	[hbm4b:s11+s18] =	stream.linear.scatter @!p0 [tilespmem:s17], [sflag:$0x4], $0x4000, $0x38;
	[tilespmem:$0x8100] =	vst v63  }
.Ltmp0:
0x3b: {  	_ =	swait.ge @!p0 [sflag:s20], $0x4000;
	(pc) =	sbr.rel @p1 .LBB2_2-.Ltmp0, $4  }
0x3c: {  	s11 =	sadd.s32 $0x10000, s11;
	[sflag:s20] =	ssyncset.done @!p0 $0x0  }
0x3d: {  	s15 =	sadd.s32 $0x20, s15;
	s16 =	simm.s32 @!p0 $0x3;
	[sflag:s20] =	ssyncadd.s32 @!p0 $0xFFFFC000  }
0x3e: {  	[hbm4b:s12+s18] =	stream.linear.scatter @!p0 [tilespmem:s19], [sflag:$0x3], $0x4000, $0x38;
	[tilespmem:$0x8100] =	vst v63  }
0x3f: {  	p2 =	sgt.u32 s15, $0x4E1;
	s12 =	sadd.s32 $0x10000, s12;
	_ =	swait.ge @!p0 [sflag:s16], $0x4000  }
0x40: {  	s14 =	sadd.s32 @!p2 s13, s7;
	[sflag:s16] =	ssyncset.done @!p0 $0x0  }
0x41: {  	s15 =	simm.s32 @!p2 $0x0;
	s17 =	simm.s32 @!p2 $0x4;
	[sflag:s16] =	ssyncadd.s32 @!p0 $0xFFFFC000  }
0x42: {  	[tilespmem:s15], [sflag:$0x4] =	stream.linear.gather @!p2 [hbm4b:s14+s15], $0x80, $0x38;
	[tilespmem:$0x8100] =	vst v63  }
0x43: {  	p0 =	por p2, p2;
	_ =	swait.ge @!p2 [sflag:s17], $0x80  }
0x44: {  	[sflag:s17] =	ssyncset.done @!p0 $0x0  }
0x45: {  	s13 =	sadd.s32 @!p0 s13, s6;
	s14 =	simm.s32 @!p0 $0x80;
	[sflag:s17] =	ssyncadd.s32 @!p0 $0xFFFFFF80  }
0x46: {  	[tilespmem:s14], [sflag:$0x4] =	stream.linear.gather @!p0 [hbm4b:s13+s15], $0x80, $0x38;
	[tilespmem:$0x8100] =	vst v63  }
0x47: {  	_ =	swait.ge @!p0 [sflag:s17], $0x80  }
0x48: {  	[sflag:s17] =	ssyncset.done @!p0 $0x0  }
0x49: {  	s13 =	simm.s32 @!p0 $0x100;
	[sflag:s17] =	ssyncadd.s32 @!p0 $0xFFFFFF80  }
0x4a: {  	[tilespmem:s13], [sflag:$0x1] =	stream.indirect.gather @!p0 [hbm4b:s1+s14], $0x80, s15, s14, $0xb8;
	[tilespmem:$0x8100] =	vst v63  }
0x4b: {  	s16 =	simm.s32 @!p0 $0x4100;
	s18 =	simm.s32 @!p0 $0x1  }
0x4c: {  	[tilespmem:s16], [sflag:$0x2] =	stream.indirect.gather @!p0 [hbm4b:s3+s14], $0x80, s14, s14, $0xb8;
	[tilespmem:$0x8100] =	vst v63  }
0x4d: {  	_ =	swait.ge @!p0 [sflag:s18], $0x4000  }
0x4e: {  	[sflag:s18] =	ssyncset.done @!p0 $0x0  }
0x4f: {  	s14 =	simm.s32 @!p0 $0x2;
	[sflag:s18] =	ssyncadd.s32 @!p0 $0xFFFFC000  }
0x50: {  	_ =	swait.ge @!p0 [sflag:s14], $0x4000  }
0x51: {  	[sflag:s14] =	ssyncset.done @!p0 $0x0  }
0x52: {  	[sflag:s14] =	ssyncadd.s32 @!p0 $0xFFFFC000  }
0x53: {  	[hbm4b:s11+s15] =	stream.linear.scatter @!p0 [tilespmem:s13], [sflag:$0x4], $0x4000, $0x38;
	[tilespmem:$0x8100] =	vst v63  }
0x54: {  	s2 =	sadd.s32 $0x1, s2;
	_ =	swait.ge @!p0 [sflag:s17], $0x4000  }
0x55: {  	p1 =	sne.s32 s2, s5;
	[sflag:s17] =	ssyncset.done @!p0 $0x0  }
.Ltmp1:
0x56: {  	s11 =	simm.s32 @!p0 $0x3;
	[sflag:s17] =	ssyncadd.s32 @!p0 $0xFFFFC000;
	(pc) =	sbr.rel @p1 .LBB2_1-.Ltmp1, $4  }
0x57: {  	[hbm4b:s12+s15] =	stream.linear.scatter @!p0 [tilespmem:s16], [sflag:$0x3], $0x4000, $0x38;
	[tilespmem:$0x8100] =	vst v63  }
0x58: {  	_ =	swait.ge @!p0 [sflag:s11], $0x4000  }
0x59: {  	[sflag:s11] =	ssyncset.done @!p0 $0x0  }
0x5a: {  	[sflag:s11] =	ssyncadd.s32 @!p0 $0xFFFFC000  }
0x5b: {  	_ =	sfence.sel $0x180000  }
0x5c: {  	[bflag:$0x0] =	sbarrier.arrive $0xFFFF  }
0x5d: {  	p0 =	sne.s32 s4, $0x0;
	_ =	strace $0x90000047  }
0x5e: {  	s0 =	sadd.s32 @!p0 $0x100000, s0;
	[bflag:$0x2] =	sbarrier.arrive $0xFFFF  }
0x5f: {  	[sflag:s0] =	ssyncadd.tile.s32 @!p0 $0x1;
	_ =	shalt  }
.Lfunc_end2:
_tile_overlayer_lowered:
.L_overlay_start_2:
0x60: {  	(tag) =	ssettag $0x2  }
0x61: {  	s0 =	rddreg [dreg:$0x0];
	s2 =	stileid.u32  }
0x62: {  	s1 =	rddreg [dreg:$0x1];
	p0 =	sne.s32 s2, $0x0  }
0x63: {  	s3 =	rddreg [dreg:$0x2];
	[bflag:$0x3] =	sbarrier.arrive $0xFFFF;
	s2 =	simm.s32 @!p0 $0x1C03  }
0x64: {  	[timem:s3], [sflag:s2] =	dma.local @!p0 [hbm:s0], s1  }
0x65: {  	s0 =	simm.s32 @!p0 $0x3  }
0x66: {  	_ =	swait.ge @!p0 [sflag:s0], s1  }
0x67: {  	s1 =	ssub.s32 @!p0 $0x0, s1;
	[sflag:s0] =	ssyncset.done @!p0 $0x0  }
0x68: {  	[sflag:s0] =	ssyncadd.s32 @!p0 s1  }
0x69: {  	[bflag:$0x3] =	sbarrier.arrive $0xFFFF  }
0x6a: {  	_ =	shalt  }

// kernel: kernel.15.cloned.1.call-start
scs
__scs_entry_jumppad:
0x0: {  	(pc) =	sbr.rel $0x88, $3  }
0x1: {  	(tag) =	ssettag $0x0;
	lr =	simm.s32 $0x1  }
0x2: {  	[smem:$0x3F92] =	sst lr;
	_ =	strace $0xD0000000  }
0x3: {  	_ = 	snop  }
0x4: {  	_ = 	snop  }
0x5: {  	_ = 	snop  }
0x6: {  	_ = 	snop  }
0x7: {  	_ = 	snop  }
__scs_overlays_trampoline_lowered:
0x8: {  	[smem:$0x3FA1] =	sst s0  }
0x9: {  	[smem:$0x3FA2] =	sst s1  }
0xa: {  	[smem:$0x3FA3] =	sst s2  }
0xb: {  	[smem:$0x3FA4] =	sst s3  }
0xc: {  	[smem:$0x3FA5] =	sst s4  }
0xd: {  	[smem:$0x3FA6] =	sst s5  }
0xe: {  	[smem:$0x3FA7] =	sst s6  }
0xf: {  	[smem:$0x3FA8] =	sst s7  }
0x10: {  	[smem:$0x3FA9] =	sst s8  }
0x11: {  	[smem:$0x3FAA] =	sst s9;
	s0 =	simm.s32 @!p0 $0x0  }
0x12: {  	s1 =	sld [smem:$0x3F90];
	s0 =	simm.s32 @p0 $0x1  }
0x13: {  	[smem:$0x3FAB] =	sst s0;
	s0 =	simm.s32 @!p1 $0x0  }
0x14: {  	s2 =	sld [smem:$0x3F8F];
	s0 =	simm.s32 @p1 $0x1  }
0x15: {  	[smem:$0x3FAC] =	sst s0;
	s0 =	simm.s32 @!p2 $0x0  }
0x16: {  	s3 =	sld [smem:$0x3FDB];
	s0 =	simm.s32 @p2 $0x1  }
0x17: {  	s4 =	simm.s32 $0x1BF5;
	[smem:$0x3FAE] =	sst s0  }
0x18: {  	s0 =	sld [smem:$0x3F91];
	_ =	swait.ge [sflag:s4], $0x0  }
0x19: {  	s7 =	sld [smem:$0x3F92]  }
0x1a: {  	s8 =	sadd.s32 $0xFFFFE003, lr  }
0x1b: {  	s9 =	sadd.s32 $0xFFFFFEF7, lr;
	s5 =	simm.s32 $0xFFFFFFFF;
	p2 =	slt.u32 s8, $0xFFFFF086  }
0x1c: {  	p1 =	slt.u32 s9, $0xF7A;
	s5 =	simm.s32 @!p2 $0x0  }
0x1d: {  	s5 =	simm.s32 @p1 $0x1;
	p0 =	seq.s32 s7, s2  }
0x1e: {  	s7 =	smul.u32 @!p0 $0xF7A, s2;
	p2 =	seq.s32 @!p0 s5, $0x0  }
0x1f: {  	s9 =	smul.u32 $0xF7A, s1;
	s8 =	simm.s32 @!p0 $0x1BF5;
	p2 =	por !p2, p0  }
0x20: {  	[sflag:s8] =	ssyncset.s32 @!p0 $0xFFFFF086;
	s6 =	sadd.s32 @!p0 s3, s7;
	s7 =	simm.s32 @!p0 $0x108  }
0x21: {  	s3 =	sadd.s32 s3, s9;
	s6 =	sadd.s32 @!p0 $0x88, s6;
	s7 =	simm.s32 @p2 $0x1082  }
0x22: {  	[simem:s7], [sflag:s8] =	dma.local @!p0 [hbm:s6], $0xF7A  }
0x23: {  	s9 =	sor.u32 $0xD0000000, s2;
	s6 =	simm.s32 $0x108;
	_ =	swait.ge @!p0 [sflag:s8], $0x0  }
0x24: {  	s3 =	sadd.s32 $0x88, s3;
	s6 =	simm.s32 @!p1 $0x1082;
	[sflag:s4] =	ssyncset.s32 $0xFFFFF086  }
0x25: {  	[simem:s6], [sflag:s4] =	dma.local [hbm:s3], $0xF7A  }
0x26: {  	[smem:$0x3F92] =	sst s1;
	(tag) =	ssettag s2;
	_ =	strace s9  }
0x27: {  	s1 =	sld [smem:$0x3FA2]  }
0x28: {  	s2 =	sld [smem:$0x3FA3]  }
0x29: {  	s4 =	sld [smem:$0x3FA5]  }
0x2a: {  	p0 =	seq.s32 s5, $0x0;
	s5 =	sld [smem:$0x3FA6]  }
0x2b: {  	s6 =	sld [smem:$0x3FA7]  }
0x2c: {  	s7 =	sld [smem:$0x3FA8]  }
0x2d: {  	s3 =	simm.s32 $0x108;
	s8 =	sld [smem:$0x3FA9]  }
0x2e: {  	s3 =	simm.s32 @!p0 $0x1082;
	s9 =	sld [smem:$0x3FAA]  }
0x2f: {  	lr =	sadd.s32 s0, s3;
	s0 =	sld [smem:$0x3FA1]  }
0x30: {  	s3 =	sld [smem:$0x3FA4]  }
0x31: {  	[smem:$0x3FAD] =	sst s10  }
0x32: {  	s10 =	sld [smem:$0x3FAB];
	_ =	sdelay $0x3  }
0x33: {  	p0 =	seq.s32 s10, $0x1;
	s10 =	sld [smem:$0x3FAD];
	_ =	sdelay $0x3  }
0x34: {  	[smem:$0x3FAD] =	sst s10  }
0x35: {  	s10 =	sld [smem:$0x3FAC];
	_ =	sdelay $0x3  }
0x36: {  	p1 =	seq.s32 s10, $0x1;
	s10 =	sld [smem:$0x3FAD];
	_ =	sdelay $0x3  }
0x37: {  	[smem:$0x3FAD] =	sst s10  }
0x38: {  	s10 =	sld [smem:$0x3FAE]  }
0x39: {  	_ = 	snop;
	(pc) =	sbr.ind lr, $3  }
0x3a: {  	_ = 	snop  }
0x3b: {  	_ = 	snop  }
0x3c: {  	p2 =	seq.s32 s10, $0x1;
	s10 =	sld [smem:$0x3FAD]  }
0x3d: {  	_ =	shalt  }
0x3e: {  	_ =	shalt  }
0x3f: {  	_ =	shalt  }
0x40: {  	_ =	shalt  }
0x41: {  	_ =	shalt  }
0x42: {  	_ =	shalt  }
0x43: {  	_ =	shalt  }
0x44: {  	_ =	shalt  }
0x45: {  	_ =	shalt  }
0x46: {  	_ =	shalt  }
0x47: {  	_ =	shalt  }
0x48: {  	_ =	shalt  }
0x49: {  	_ =	shalt  }
0x4a: {  	_ =	shalt  }
0x4b: {  	_ =	shalt  }
0x4c: {  	_ =	shalt  }
0x4d: {  	_ =	shalt  }
0x4e: {  	_ =	shalt  }
0x4f: {  	_ =	shalt  }
0x50: {  	_ =	shalt  }
0x51: {  	_ =	shalt  }
0x52: {  	_ =	shalt  }
0x53: {  	_ =	shalt  }
0x54: {  	_ =	shalt  }
0x55: {  	_ =	shalt  }
0x56: {  	_ =	shalt  }
0x57: {  	_ =	shalt  }
0x58: {  	_ =	shalt  }
0x59: {  	_ =	shalt  }
0x5a: {  	_ =	shalt  }
0x5b: {  	_ =	shalt  }
0x5c: {  	_ =	shalt  }
0x5d: {  	_ =	shalt  }
0x5e: {  	_ =	shalt  }
0x5f: {  	_ =	shalt  }
0x60: {  	_ =	shalt  }
0x61: {  	_ =	shalt  }
0x62: {  	_ =	shalt  }
0x63: {  	_ =	shalt  }
0x64: {  	_ =	shalt  }
0x65: {  	_ =	shalt  }
0x66: {  	_ =	shalt  }
0x67: {  	_ =	shalt  }
0x68: {  	_ =	shalt  }
0x69: {  	_ =	shalt  }
0x6a: {  	_ =	shalt  }
0x6b: {  	_ =	shalt  }
0x6c: {  	_ =	shalt  }
0x6d: {  	_ =	shalt  }
0x6e: {  	_ =	shalt  }
0x6f: {  	_ =	shalt  }
0x70: {  	_ =	shalt  }
0x71: {  	_ =	shalt  }
0x72: {  	_ =	shalt  }
0x73: {  	_ =	shalt  }
0x74: {  	_ =	shalt  }
0x75: {  	_ =	shalt  }
0x76: {  	_ =	shalt  }
0x77: {  	_ =	shalt  }
0x78: {  	_ =	shalt  }
0x79: {  	_ =	shalt  }
0x7a: {  	_ =	shalt  }
0x7b: {  	_ =	shalt  }
0x7c: {  	_ =	shalt  }
0x7d: {  	_ =	shalt  }
0x7e: {  	_ =	shalt  }
0x7f: {  	_ =	shalt  }
0x80: {  	_ =	shalt  }
0x81: {  	_ =	shalt  }
0x82: {  	_ =	shalt  }
0x83: {  	_ =	shalt  }
0x84: {  	_ =	shalt  }
0x85: {  	_ =	shalt  }
0x86: {  	_ =	shalt  }
0x87: {  	_ =	shalt  }
.Lfunc_end0:
.L_simem_size_0:
called_computation.1_lowered:
.L_overlay_start_0:
0x88: {  	s2 =	sld [smem:$0x3FD9]  }
0x89: {  	s3 =	sld [smem:$0x3FFE];
	_ =	sdelay $0x1  }
0x8a: {  	s1 =	srdreg.scid  }
0x8b: {  	s0 =	sand.u32 $0x1, s1  }
0x8c: {  	s17 =	sshll.u32 s0, $0xA;
	s2 =	sadd.s32 s3, s2  }
0x8d: {  	s2 =	sadd.s32 s2, s17  }
0x8e: {  	[smem:$0x3FB9] =	sst s2  }
0x8f: {  	_ = 	snop  }
0x90: {  	s2 =	sld [smem:$0x3FD0];
	(tm) =	ssettm $0x1  }
0x91: {  	s18 =	sld [smem:$0x3FFB];
	_ =	sdelay $0x3  }
0x92: {  	_ =	strace s18  }
0x93: {  	s3 =	sld [smem:$0x3FFC];
	_ =	sdelay $0x3  }
0x94: {  	_ =	strace s3  }
0x95: {  	s3 =	sld [smem:$0x3FFD];
	_ =	sdelay $0x3  }
0x96: {  	_ =	strace s3  }
0x97: {  	_ =	strace $0x8FFFFFFF  }
0x98: {  	s19 =	sld [smem:$0x3FDB];
	_ =	sdelay $0x1  }
0x99: {  	s4 =	simm.s32 $_scs_section_size  }
0x9a: {  	s5 =	simm.s32 $_size__tile_overlayer_lowered;
	s6 =	simm.s32 $_tile_overlayer_lowered  }
0x9b: {  	s22 =	simm.s32 $0x1BFF;
	s21 =	sshll.u32 s6, $0x1;
	s3 =	sadd.s32 s4, s19  }
0x9c: {  	s7 =	simm.s32 $0x0;
	s20 =	sshll.u32 s5, $0x1;
	s5 =	sadd.s32 s21, s3  }
0x9d: {  	[timem:s7], [sflag:s22] =	dma.local [hbm:s5], s20  }
0x9e: {  	_ =	swait.ge [sflag:s22], s20  }
0x9f: {  	s4 =	ssub.s32 $0x0, s20;
	[sflag:s22] =	ssyncset.done $0x0  }
0xa0: {  	[sflag:s22] =	ssyncadd.s32 s4;
	_ =	sdelay $0x1  }
0xa1: {  	s23 =	simm.s32 $0x1B8B  }
0xa2: {  	_ =	swait.ge [sflag:s23], $0x1  }
0xa3: {  	[sflag:s23] =	ssyncset.done $0x0  }
0xa4: {  	s25 =	simm.s32 $0x1B8E;
	s24 =	sld [smem:$0x3FFE];
	[sflag:s23] =	ssyncadd.s32 $0xFFFFFFFF  }
0xa5: {  	s26 =	simm.s32 $execute0_lowered;
	[smem:$0x3FD2] =	sst s25  }
0xa6: {  	s5 =	sshll.u32 s26, $0x1;
	_ =	strace $0x80000049;
	[dreg:$0x1] =	wrdreg $0xFFFFFFFF  }
0xa7: {  	s28 =	simm.s32 $_size_execute0_lowered;
	s3 =	sadd.s32 s3, s5;
	[dreg:$0x0] =	wrdreg $0x0  }
0xa8: {  	s5 =	sshll.u32 s28, $0x1;
	[dreg:$0x2] =	wrdreg s3  }
0xa9: {  	[dreg:$0x3] =	wrdreg s5  }
0xaa: {  	[dreg:$0x4] =	wrdreg $0xC0  }
0xab: {  	_ =	task [dreg:s7], $0x5FFFF  }
0xac: {  	[dreg:$0x1] =	wrdreg $0xFFFFFFFF  }
0xad: {  	[dreg:$0x0] =	wrdreg $0x60  }
0xae: {  	[dreg:$0x2] =	wrdreg s24  }
0xaf: {  	[dreg:$0x3] =	wrdreg s2  }
0xb0: {  	[dreg:$0x4] =	wrdreg $0x0  }
0xb1: {  	[dreg:$0x5] =	wrdreg $0x9  }
0xb2: {  	_ =	task.clear_ibuf [dreg:s7], $0x6FFFF;
	_ =	strace $0x90000049  }
0xb3: {  	s29 =	simm.s32 $0x9;
	_ =	strace $0x8000004B  }
0xb4: {  	_ =	swait.ge [sflag:s29], $0x1  }
0xb5: {  	[sflag:s29] =	ssyncadd.s32 $0xFFFFFFFF  }
0xb6: {  	_ =	strace $0x9000004B  }
0xb7: {  	_ =	sfence  }
0xb8: {  	s30 =	sld [smem:$0x0];
	_ =	sdelay $0x2  }
0xb9: {  	s31 =	sshll.u32 s1, $0xD;
	s1 =	sshrl.u32 s1, $0x2  }
0xba: {  	s3 =	sand.u32 $0x4000, s31;
	s1 =	sadd.s32 s1, s30  }
0xbb: {  	s0 =	sor.u32 s3, s0;
	s1 =	sshll.u32 s1, $0x11  }
0xbc: {  	s0 =	sor.u32 s1, s0  }
0xbd: {  	s0 =	sadd.s32 $0x8F2B, s0  }
0xbe: {  	[sflag:s0] =	ssyncadd.remote.s32 $0x1  }
0xbf: {  	_ =	sfence.sel $0xFFFF  }
0xc0: {  	[dreg:$0x0] =	wrdreg $0xFFFFFFFF;
	(pc) =	sbr.abs _section_cstart, $3  }
0xc1: {  	[dreg:$0x1] =	wrdreg $0xFFFFFFFF  }
0xc2: {  	_ =	task.clear_ibuf [dreg:s7], $0x2FFFF;
	_ =	strace $0x9FFFFFFF  }
0xc3: {  	(tm) =	ssettm $0x7FFFFFFF  }
tec
execute0_lowered:
.L_overlay_start_1:
0x0: {  	(tag) =	ssettag $0x1  }
0x1: {  	s4 =	rddreg [dreg:$0x0]  }
0x2: {  	s5 =	rddreg [dreg:$0x1]  }
0x3: {  	s1 =	rddreg [dreg:$0x2]  }
0x4: {  	s0 =	rddreg [dreg:$0x3];
	s3 =	srdreg.scid  }
0x5: {  	s2 =	simm.s32 $0x0;
	s6 =	sand.u32 $0x1, s3;
	s3 =	stileid.u32  }
0x6: {  	[smem:$0x7FF] =	sst s2;
	s12 =	sadd.s32 $0x12800, s4;
	s8 =	smul.u32 $0x50000, s3  }
0x7: {  	s17 =	sadd.s32 $0x12C000, s1;
	_ =	strace $0x8000004A;
	s11 =	smul.u32 $0x2800, s3  }
0x8: {  	s7 =	sshll.u32 s6, $0xF;
	s22 =	sshll.u32 s6, $0x8;
	s13 =	smul.u32 $0x138800, s6  }
0x9: {  	s23 =	ssub.s32 $0x2, s6;
	s26 =	smul.u32 $0x14000, s3;
	s15 =	sshll.u32 s6, $0x4  }
0xa: {  	s30 =	sshll.u32 s3, $0x4;
	s31 =	sshll.u32 s3, $0xB;
	p0 =	seq.s32 s3, $0xF  }
0xb: {  	s10 =	sadd.s32 s7, s4;
	s9 =	sadd.s32 s22, s4;
	s24 =	sshrl.u32 s23, $0x1  }
0xc: {  	s14 =	ssub.s32 s23, s24;
	s25 =	sshrl.u32 s8, $0x2;
	s4 =	sadd.s32 s5, s11  }
0xd: {  	s28 =	sadd.s32 s26, s13;
	s29 =	sshrl.u32 s13, $0x3;
	s5 =	sadd.s32 $0x25800, s5  }
0xe: {  	s9 =	sadd.s32 s30, s9;
	s10 =	sadd.s32 s31, s10;
	s11 =	sor.u32 s15, s3  }
0xf: {  	s13 =	sshll.u32 @!p0 s3, $0x6;
	s16 =	sadd.s32 s25, s1;
	s6 =	sshrl.u32 s28, $0x3  }
0x10: {  	s7 =	sadd.s32 s12, s29;
	s8 =	smax.u32 s14, $0x1;
	s9 =	sadd.s32 $0xC800, s9  }
0x11: {  	s10 =	sadd.s32 $0x51C400, s10;
	s13 =	sor.u32 @!p0 $0x1C01, s13;
	s6 =	sadd.s32 s12, s6  }
0x12: {  	s7 =	sadd.s32 $0x25800, s7;
	s12 =	sshrl.u32 @p0 s17, $0x3;
	s14 =	sshrl.u32 @!p0 s16, $0x3  }
.LBB2_1:
0x13: {  	s15 =	simm.s32 @p0 $0x1FC1  }
0x14: {  	[spmem:s12], [sflag:s15] =	dma.local @p0 [hbm:s5], $0x1900  }
0x15: {  	s15 =	simm.s32 @p0 $0x1  }
0x16: {  	_ =	swait.ge @p0 [sflag:s15], $0x1900  }
0x17: {  	[sflag:s15] =	ssyncset.done @p0 $0x0  }
0x18: {  	[sflag:s15] =	ssyncadd.s32 @p0 $0xFFFFE700;
	s15 =	simm.s32 @!p0 $0x1  }
0x19: {  	[spmem:s14], [sflag:s13] =	dma.local @!p0 [hbm:s4], $0x2800  }
0x1a: {  	s30 =	sadd.s32 $0x0, s11;
	_ =	swait.ge @!p0 [sflag:s15], $0x2800  }
0x1b: {  	p1 =	sgt.u32 s30, $0x4E1;
	[sflag:s15] =	ssyncset.done @!p0 $0x0  }
0x1c: {  	s17 =	simm.s32 @!p1 $0x13880;
	[sflag:s15] =	ssyncadd.s32 @!p0 $0xFFFFD800  }
0x1d: {  	s18 =	simm.s32 @!p1 $0x2;
	s15 =	simm.s32 @!p1 $0x0;
	[bflag:$0x0] =	sbarrier.arrive $0xFFFF  }
0x1e: {  	[tilespmem:s17], [sflag:$0x2] =	stream.linear.gather @!p1 [hbm4b:s9+s15], $0x80, $0x38;
	[tilespmem:$0x17900] =	vst v63  }
0x1f: {  	_ =	swait.ge @!p1 [sflag:s18], $0x80;
	p1 =	por p1, p1  }
0x20: {  	[sflag:s18] =	ssyncset.done @!p1 $0x0  }
0x21: {  	s19 =	simm.s32 @!p1 $0x13900;
	[sflag:s18] =	ssyncadd.s32 @!p1 $0xFFFFFF80  }
0x22: {  	[tilespmem:s19], [sflag:$0x2] =	stream.linear.gather @!p1 [hbm4b:s10+s15], $0x4000, $0x38;
	[tilespmem:$0x17900] =	vst v63  }
0x23: {  	s31 =	sadd.s32 $0x20, s11;
	_ =	swait.ge @!p1 [sflag:s18], $0x4000  }
0x24: {  	s16 =	simm.s32 $0x40;
	p2 =	sgt.u32 s31, $0x4E1;
	[sflag:s18] =	ssyncset.done @!p1 $0x0  }
0x25: {  	s15 =	simm.s32 @!p1 $0x80;
	[sflag:s18] =	ssyncadd.s32 @!p1 $0xFFFFC000;
	s18 =	simm.s32 @!p1 $0x1  }
0x26: {  	[spmem:s1] =	stream.indirect.scatter.add.f32 @!p1 [tilespmem:s19], [sflag:$0x1], $0x80, s17, s15, $0xb8;
	[tilespmem:$0x17900] =	vst v63  }
0x27: {  	s15 =	sadd.s32 $0x10000, s10;
	s17 =	sadd.s32 $0x200, s9;
	_ =	swait.ge @!p1 [sflag:s18], $0x4000  }
.LBB2_2:
0x28: {  	s19 =	simm.s32 @!p2 $0x0  }
0x29: {  	s20 =	simm.s32 @!p2 $0x13880;
	[sflag:s18] =	ssyncset.done @!p1 $0x0;
	s21 =	smov.u32 s16  }
0x2a: {  	s16 =	sadd.s32 $0x20, s16;
	s22 =	simm.s32 @!p2 $0x2;
	[sflag:s18] =	ssyncadd.s32 @!p1 $0xFFFFC000  }
0x2b: {  	[tilespmem:s20], [sflag:$0x2] =	stream.linear.gather @!p2 [hbm4b:s17+s19], $0x80, $0x38;
	[tilespmem:$0x17900] =	vst v63  }
0x2c: {  	p3 =	sne.s32 s16, $0x500;
	p1 =	por p2, p2;
	_ =	swait.ge @!p2 [sflag:s22], $0x80  }
0x2d: {  	[sflag:s22] =	ssyncset.done @!p1 $0x0  }
0x2e: {  	s23 =	simm.s32 @!p1 $0x13900;
	[sflag:s22] =	ssyncadd.s32 @!p1 $0xFFFFFF80  }
0x2f: {  	[tilespmem:s23], [sflag:$0x2] =	stream.linear.gather @!p1 [hbm4b:s15+s19], $0x4000, $0x38;
	[tilespmem:$0x17900] =	vst v63  }
.Ltmp0:
0x30: {  	_ =	swait.ge @!p1 [sflag:s22], $0x4000;
	(pc) =	sbr.rel @p3 .LBB2_2-.Ltmp0, $4  }
0x31: {  	s18 =	simm.s32 @!p1 $0x1;
	s15 =	sadd.s32 $0x10000, s15;
	[sflag:s22] =	ssyncset.done @!p1 $0x0  }
0x32: {  	s19 =	sadd.s32 s21, s11;
	s21 =	simm.s32 @!p1 $0x80;
	[sflag:s22] =	ssyncadd.s32 @!p1 $0xFFFFC000  }
0x33: {  	[spmem:s1] =	stream.indirect.scatter.add.f32 @!p1 [tilespmem:s23], [sflag:$0x1], $0x80, s20, s21, $0xb8;
	[tilespmem:$0x17900] =	vst v63  }
0x34: {  	s17 =	sadd.s32 $0x200, s17;
	p2 =	sgt.u32 s19, $0x4E1;
	_ =	swait.ge @!p1 [sflag:s18], $0x4000  }
0x35: {  	s16 =	simm.s32 @!p2 $0x0;
	[sflag:s18] =	ssyncset.done @!p1 $0x0  }
0x36: {  	s19 =	simm.s32 @!p2 $0x13880;
	s20 =	simm.s32 @!p2 $0x2;
	[sflag:s18] =	ssyncadd.s32 @!p1 $0xFFFFC000  }
0x37: {  	[tilespmem:s19], [sflag:$0x2] =	stream.linear.gather @!p2 [hbm4b:s17+s16], $0x80, $0x38;
	[tilespmem:$0x17900] =	vst v63  }
0x38: {  	p1 =	por p2, p2;
	_ =	swait.ge @!p2 [sflag:s20], $0x80  }
0x39: {  	[sflag:s20] =	ssyncset.done @!p1 $0x0  }
0x3a: {  	s17 =	simm.s32 @!p1 $0x13900;
	[sflag:s20] =	ssyncadd.s32 @!p1 $0xFFFFFF80  }
0x3b: {  	[tilespmem:s17], [sflag:$0x2] =	stream.linear.gather @!p1 [hbm4b:s15+s16], $0x4000, $0x38;
	[tilespmem:$0x17900] =	vst v63  }
0x3c: {  	_ =	swait.ge @!p1 [sflag:s20], $0x4000  }
0x3d: {  	[sflag:s20] =	ssyncset.done @!p1 $0x0  }
0x3e: {  	s15 =	simm.s32 @!p1 $0x1;
	s16 =	simm.s32 @!p1 $0x80;
	[sflag:s20] =	ssyncadd.s32 @!p1 $0xFFFFC000  }
0x3f: {  	[spmem:s1] =	stream.indirect.scatter.add.f32 @!p1 [tilespmem:s17], [sflag:$0x1], $0x80, s19, s16, $0xb8;
	[tilespmem:$0x17900] =	vst v63  }
0x40: {  	_ =	swait.ge @!p1 [sflag:s15], $0x4000  }
0x41: {  	[sflag:s15] =	ssyncset.done @!p1 $0x0  }
0x42: {  	[sflag:s15] =	ssyncadd.s32 @!p1 $0xFFFFC000  }
0x43: {  	s15 =	simm.s32 @p0 $0x1FC1;
	[bflag:$0x0] =	sbarrier.arrive $0xFFFF  }
0x44: {  	[hbm:s7], [sflag:s15] =	dma.local @p0 [spmem:s12], $0x1900  }
0x45: {  	s15 =	simm.s32 @p0 $0x1  }
0x46: {  	s2 =	sadd.s32 $0x1, s2;
	_ =	swait.ge @p0 [sflag:s15], $0x1900  }
0x47: {  	p1 =	sne.s32 s2, s8;
	[sflag:s15] =	ssyncset.done @p0 $0x0  }
.Ltmp1:
0x48: {  	[sflag:s15] =	ssyncadd.s32 @p0 $0xFFFFE700;
	s15 =	simm.s32 @!p0 $0x1;
	(pc) =	sbr.rel @p1 .LBB2_1-.Ltmp1, $4  }
0x49: {  	[hbm:s6], [sflag:s13] =	dma.local @!p0 [spmem:s14], $0x2800  }
0x4a: {  	_ =	swait.ge @!p0 [sflag:s15], $0x2800  }
0x4b: {  	[sflag:s15] =	ssyncset.done @!p0 $0x0  }
0x4c: {  	[sflag:s15] =	ssyncadd.s32 @!p0 $0xFFFFD800  }
0x4d: {  	_ =	sfence.sel $0x180000  }
0x4e: {  	[bflag:$0x0] =	sbarrier.arrive $0xFFFF  }
0x4f: {  	p0 =	sne.s32 s3, $0x0;
	_ =	strace $0x9000004A  }
0x50: {  	s0 =	sadd.s32 @!p0 $0x100000, s0;
	[bflag:$0x2] =	sbarrier.arrive $0xFFFF  }
0x51: {  	[sflag:s0] =	ssyncadd.tile.s32 @!p0 $0x1;
	_ =	shalt  }
.Lfunc_end2:
_tile_overlayer_lowered:
.L_overlay_start_2:
0x52: {  	(tag) =	ssettag $0x2  }
0x53: {  	s0 =	rddreg [dreg:$0x0];
	s2 =	stileid.u32  }
0x54: {  	s1 =	rddreg [dreg:$0x1];
	p0 =	sne.s32 s2, $0x0  }
0x55: {  	s3 =	rddreg [dreg:$0x2];
	[bflag:$0x3] =	sbarrier.arrive $0xFFFF;
	s2 =	simm.s32 @!p0 $0x1C01  }
0x56: {  	[timem:s3], [sflag:s2] =	dma.local @!p0 [hbm:s0], s1  }
0x57: {  	s0 =	simm.s32 @!p0 $0x1  }
0x58: {  	_ =	swait.ge @!p0 [sflag:s0], s1  }
0x59: {  	s1 =	ssub.s32 @!p0 $0x0, s1;
	[sflag:s0] =	ssyncset.done @!p0 $0x0  }
0x5a: {  	[sflag:s0] =	ssyncadd.s32 @!p0 s1  }
0x5b: {  	[bflag:$0x3] =	sbarrier.arrive $0xFFFF  }
0x5c: {  	_ =	shalt  }

// kernel: kernel.18.cloned.1.call-start
scs
__scs_entry_jumppad:
0x0: {  	(pc) =	sbr.rel $0x88, $3  }
0x1: {  	(tag) =	ssettag $0x0;
	lr =	simm.s32 $0x1  }
0x2: {  	[smem:$0x3F92] =	sst lr;
	_ =	strace $0xD0000000  }
0x3: {  	_ = 	snop  }
0x4: {  	_ = 	snop  }
0x5: {  	_ = 	snop  }
0x6: {  	_ = 	snop  }
0x7: {  	_ = 	snop  }
__scs_overlays_trampoline_lowered:
0x8: {  	[smem:$0x3FA1] =	sst s0  }
0x9: {  	[smem:$0x3FA2] =	sst s1  }
0xa: {  	[smem:$0x3FA3] =	sst s2  }
0xb: {  	[smem:$0x3FA4] =	sst s3  }
0xc: {  	[smem:$0x3FA5] =	sst s4  }
0xd: {  	[smem:$0x3FA6] =	sst s5  }
0xe: {  	[smem:$0x3FA7] =	sst s6  }
0xf: {  	[smem:$0x3FA8] =	sst s7  }
0x10: {  	[smem:$0x3FA9] =	sst s8  }
0x11: {  	[smem:$0x3FAA] =	sst s9;
	s0 =	simm.s32 @!p0 $0x0  }
0x12: {  	s1 =	sld [smem:$0x3F90];
	s0 =	simm.s32 @p0 $0x1  }
0x13: {  	[smem:$0x3FAB] =	sst s0;
	s0 =	simm.s32 @!p1 $0x0  }
0x14: {  	s2 =	sld [smem:$0x3F8F];
	s0 =	simm.s32 @p1 $0x1  }
0x15: {  	[smem:$0x3FAC] =	sst s0;
	s0 =	simm.s32 @!p2 $0x0  }
0x16: {  	s3 =	sld [smem:$0x3FDB];
	s0 =	simm.s32 @p2 $0x1  }
0x17: {  	s4 =	simm.s32 $0x1BF5;
	[smem:$0x3FAE] =	sst s0  }
0x18: {  	s0 =	sld [smem:$0x3F91];
	_ =	swait.ge [sflag:s4], $0x0  }
0x19: {  	s7 =	sld [smem:$0x3F92]  }
0x1a: {  	s8 =	sadd.s32 $0xFFFFE003, lr  }
0x1b: {  	s9 =	sadd.s32 $0xFFFFFEF7, lr;
	s5 =	simm.s32 $0xFFFFFFFF;
	p2 =	slt.u32 s8, $0xFFFFF086  }
0x1c: {  	p1 =	slt.u32 s9, $0xF7A;
	s5 =	simm.s32 @!p2 $0x0  }
0x1d: {  	s5 =	simm.s32 @p1 $0x1;
	p0 =	seq.s32 s7, s2  }
0x1e: {  	s7 =	smul.u32 @!p0 $0xF7A, s2;
	p2 =	seq.s32 @!p0 s5, $0x0  }
0x1f: {  	s9 =	smul.u32 $0xF7A, s1;
	s8 =	simm.s32 @!p0 $0x1BF5;
	p2 =	por !p2, p0  }
0x20: {  	[sflag:s8] =	ssyncset.s32 @!p0 $0xFFFFF086;
	s6 =	sadd.s32 @!p0 s3, s7;
	s7 =	simm.s32 @!p0 $0x108  }
0x21: {  	s3 =	sadd.s32 s3, s9;
	s6 =	sadd.s32 @!p0 $0x88, s6;
	s7 =	simm.s32 @p2 $0x1082  }
0x22: {  	[simem:s7], [sflag:s8] =	dma.local @!p0 [hbm:s6], $0xF7A  }
0x23: {  	s9 =	sor.u32 $0xD0000000, s2;
	s6 =	simm.s32 $0x108;
	_ =	swait.ge @!p0 [sflag:s8], $0x0  }
0x24: {  	s3 =	sadd.s32 $0x88, s3;
	s6 =	simm.s32 @!p1 $0x1082;
	[sflag:s4] =	ssyncset.s32 $0xFFFFF086  }
0x25: {  	[simem:s6], [sflag:s4] =	dma.local [hbm:s3], $0xF7A  }
0x26: {  	[smem:$0x3F92] =	sst s1;
	(tag) =	ssettag s2;
	_ =	strace s9  }
0x27: {  	s1 =	sld [smem:$0x3FA2]  }
0x28: {  	s2 =	sld [smem:$0x3FA3]  }
0x29: {  	s4 =	sld [smem:$0x3FA5]  }
0x2a: {  	p0 =	seq.s32 s5, $0x0;
	s5 =	sld [smem:$0x3FA6]  }
0x2b: {  	s6 =	sld [smem:$0x3FA7]  }
0x2c: {  	s7 =	sld [smem:$0x3FA8]  }
0x2d: {  	s3 =	simm.s32 $0x108;
	s8 =	sld [smem:$0x3FA9]  }
0x2e: {  	s3 =	simm.s32 @!p0 $0x1082;
	s9 =	sld [smem:$0x3FAA]  }
0x2f: {  	lr =	sadd.s32 s0, s3;
	s0 =	sld [smem:$0x3FA1]  }
0x30: {  	s3 =	sld [smem:$0x3FA4]  }
0x31: {  	[smem:$0x3FAD] =	sst s10  }
0x32: {  	s10 =	sld [smem:$0x3FAB];
	_ =	sdelay $0x3  }
0x33: {  	p0 =	seq.s32 s10, $0x1;
	s10 =	sld [smem:$0x3FAD];
	_ =	sdelay $0x3  }
0x34: {  	[smem:$0x3FAD] =	sst s10  }
0x35: {  	s10 =	sld [smem:$0x3FAC];
	_ =	sdelay $0x3  }
0x36: {  	p1 =	seq.s32 s10, $0x1;
	s10 =	sld [smem:$0x3FAD];
	_ =	sdelay $0x3  }
0x37: {  	[smem:$0x3FAD] =	sst s10  }
0x38: {  	s10 =	sld [smem:$0x3FAE]  }
0x39: {  	_ = 	snop;
	(pc) =	sbr.ind lr, $3  }
0x3a: {  	_ = 	snop  }
0x3b: {  	_ = 	snop  }
0x3c: {  	p2 =	seq.s32 s10, $0x1;
	s10 =	sld [smem:$0x3FAD]  }
0x3d: {  	_ =	shalt  }
0x3e: {  	_ =	shalt  }
0x3f: {  	_ =	shalt  }
0x40: {  	_ =	shalt  }
0x41: {  	_ =	shalt  }
0x42: {  	_ =	shalt  }
0x43: {  	_ =	shalt  }
0x44: {  	_ =	shalt  }
0x45: {  	_ =	shalt  }
0x46: {  	_ =	shalt  }
0x47: {  	_ =	shalt  }
0x48: {  	_ =	shalt  }
0x49: {  	_ =	shalt  }
0x4a: {  	_ =	shalt  }
0x4b: {  	_ =	shalt  }
0x4c: {  	_ =	shalt  }
0x4d: {  	_ =	shalt  }
0x4e: {  	_ =	shalt  }
0x4f: {  	_ =	shalt  }
0x50: {  	_ =	shalt  }
0x51: {  	_ =	shalt  }
0x52: {  	_ =	shalt  }
0x53: {  	_ =	shalt  }
0x54: {  	_ =	shalt  }
0x55: {  	_ =	shalt  }
0x56: {  	_ =	shalt  }
0x57: {  	_ =	shalt  }
0x58: {  	_ =	shalt  }
0x59: {  	_ =	shalt  }
0x5a: {  	_ =	shalt  }
0x5b: {  	_ =	shalt  }
0x5c: {  	_ =	shalt  }
0x5d: {  	_ =	shalt  }
0x5e: {  	_ =	shalt  }
0x5f: {  	_ =	shalt  }
0x60: {  	_ =	shalt  }
0x61: {  	_ =	shalt  }
0x62: {  	_ =	shalt  }
0x63: {  	_ =	shalt  }
0x64: {  	_ =	shalt  }
0x65: {  	_ =	shalt  }
0x66: {  	_ =	shalt  }
0x67: {  	_ =	shalt  }
0x68: {  	_ =	shalt  }
0x69: {  	_ =	shalt  }
0x6a: {  	_ =	shalt  }
0x6b: {  	_ =	shalt  }
0x6c: {  	_ =	shalt  }
0x6d: {  	_ =	shalt  }
0x6e: {  	_ =	shalt  }
0x6f: {  	_ =	shalt  }
0x70: {  	_ =	shalt  }
0x71: {  	_ =	shalt  }
0x72: {  	_ =	shalt  }
0x73: {  	_ =	shalt  }
0x74: {  	_ =	shalt  }
0x75: {  	_ =	shalt  }
0x76: {  	_ =	shalt  }
0x77: {  	_ =	shalt  }
0x78: {  	_ =	shalt  }
0x79: {  	_ =	shalt  }
0x7a: {  	_ =	shalt  }
0x7b: {  	_ =	shalt  }
0x7c: {  	_ =	shalt  }
0x7d: {  	_ =	shalt  }
0x7e: {  	_ =	shalt  }
0x7f: {  	_ =	shalt  }
0x80: {  	_ =	shalt  }
0x81: {  	_ =	shalt  }
0x82: {  	_ =	shalt  }
0x83: {  	_ =	shalt  }
0x84: {  	_ =	shalt  }
0x85: {  	_ =	shalt  }
0x86: {  	_ =	shalt  }
0x87: {  	_ =	shalt  }
.Lfunc_end0:
.L_simem_size_0:
called_computation.2_lowered:
.L_overlay_start_0:
0x88: {  	s2 =	sld [smem:$0x3FD9]  }
0x89: {  	s3 =	sld [smem:$0x3FFE];
	_ =	sdelay $0x1  }
0x8a: {  	s1 =	srdreg.scid  }
0x8b: {  	s0 =	sand.u32 $0x1, s1  }
0x8c: {  	s16 =	sshll.u32 s0, $0xA;
	s2 =	sadd.s32 s3, s2  }
0x8d: {  	s2 =	sadd.s32 s2, s16  }
0x8e: {  	[smem:$0x3FB9] =	sst s2  }
0x8f: {  	_ = 	snop  }
0x90: {  	(tm) =	ssettm $0x1  }
0x91: {  	s17 =	sld [smem:$0x3FFB];
	_ =	sdelay $0x3  }
0x92: {  	_ =	strace s17  }
0x93: {  	s2 =	sld [smem:$0x3FFC];
	_ =	sdelay $0x3  }
0x94: {  	_ =	strace s2  }
0x95: {  	s2 =	sld [smem:$0x3FFD];
	_ =	sdelay $0x3  }
0x96: {  	_ =	strace s2  }
0x97: {  	_ =	strace $0x8FFFFFFF  }
0x98: {  	s18 =	sld [smem:$0x3FDB];
	_ =	sdelay $0x1  }
0x99: {  	s19 =	simm.s32 $_scs_section_size  }
0x9a: {  	s4 =	simm.s32 $_size__tile_overlayer_lowered;
	s5 =	simm.s32 $_tile_overlayer_lowered  }
0x9b: {  	s22 =	simm.s32 $0x1BFF;
	s21 =	sshll.u32 s5, $0x1;
	s2 =	sadd.s32 s19, s18  }
0x9c: {  	s6 =	simm.s32 $0x0;
	s20 =	sshll.u32 s4, $0x1;
	s4 =	sadd.s32 s21, s2  }
0x9d: {  	[timem:s6], [sflag:s22] =	dma.local [hbm:s4], s20  }
0x9e: {  	_ =	swait.ge [sflag:s22], s20  }
0x9f: {  	s3 =	ssub.s32 $0x0, s20;
	[sflag:s22] =	ssyncset.done $0x0  }
0xa0: {  	[sflag:s22] =	ssyncadd.s32 s3;
	_ =	sdelay $0x1  }
0xa1: {  	s23 =	simm.s32 $0x1B8B  }
0xa2: {  	_ =	swait.ge [sflag:s23], $0x1  }
0xa3: {  	[sflag:s23] =	ssyncset.done $0x0  }
0xa4: {  	s25 =	simm.s32 $0x1B8E;
	s24 =	sld [smem:$0x3FFE];
	[sflag:s23] =	ssyncadd.s32 $0xFFFFFFFF  }
0xa5: {  	s26 =	simm.s32 $execute0_lowered;
	[smem:$0x3FD2] =	sst s25  }
0xa6: {  	s4 =	sshll.u32 s26, $0x1;
	_ =	strace $0x8000004C;
	[dreg:$0x1] =	wrdreg $0xFFFFFFFF  }
0xa7: {  	s28 =	simm.s32 $_size_execute0_lowered;
	s2 =	sadd.s32 s2, s4;
	[dreg:$0x0] =	wrdreg $0x0  }
0xa8: {  	s4 =	sshll.u32 s28, $0x1;
	[dreg:$0x2] =	wrdreg s2  }
0xa9: {  	[dreg:$0x3] =	wrdreg s4  }
0xaa: {  	[dreg:$0x4] =	wrdreg $0xC0  }
0xab: {  	_ =	task [dreg:s6], $0x5FFFF  }
0xac: {  	[dreg:$0x1] =	wrdreg $0xFFFFFFFF  }
0xad: {  	[dreg:$0x0] =	wrdreg $0x60  }
0xae: {  	[dreg:$0x2] =	wrdreg s24  }
0xaf: {  	[dreg:$0x3] =	wrdreg $0x9  }
0xb0: {  	_ =	task.clear_ibuf [dreg:s6], $0x4FFFF;
	_ =	strace $0x9000004C  }
0xb1: {  	s29 =	simm.s32 $0x9;
	_ =	strace $0x8000004E  }
0xb2: {  	_ =	swait.ge [sflag:s29], $0x1  }
0xb3: {  	[sflag:s29] =	ssyncadd.s32 $0xFFFFFFFF  }
0xb4: {  	_ =	strace $0x9000004E  }
0xb5: {  	_ =	sfence  }
0xb6: {  	s30 =	sld [smem:$0x0];
	_ =	sdelay $0x2  }
0xb7: {  	s31 =	sshll.u32 s1, $0xD;
	s1 =	sshrl.u32 s1, $0x2  }
0xb8: {  	s3 =	sand.u32 $0x4000, s31;
	s1 =	sadd.s32 s1, s30  }
0xb9: {  	s0 =	sor.u32 s3, s0;
	s1 =	sshll.u32 s1, $0x11  }
0xba: {  	s0 =	sor.u32 s1, s0  }
0xbb: {  	s0 =	sadd.s32 $0x8F2B, s0  }
0xbc: {  	[sflag:s0] =	ssyncadd.remote.s32 $0x1  }
0xbd: {  	_ =	sfence.sel $0xFFFF  }
0xbe: {  	[dreg:$0x0] =	wrdreg $0xFFFFFFFF;
	(pc) =	sbr.abs _section_cstart, $3  }
0xbf: {  	[dreg:$0x1] =	wrdreg $0xFFFFFFFF  }
0xc0: {  	_ =	task.clear_ibuf [dreg:s6], $0x2FFFF;
	_ =	strace $0x9FFFFFFF  }
0xc1: {  	(tm) =	ssettm $0x7FFFFFFF  }
tec
execute0_lowered:
.L_overlay_start_1:
0x0: {  	(tag) =	ssettag $0x1  }
0x1: {  	s4 =	rddreg [dreg:$0x0]  }
0x2: {  	s0 =	rddreg [dreg:$0x1];
	s1 =	simm.s32 $0x0;
	s2 =	srdreg.scid  }
0x3: {  	[smem:$0x7FF] =	sst s1;
	s5 =	sand.u32 $0x1, s2;
	s2 =	sadd.s32 $0x62400, s4  }
0x4: {  	s3 =	sadd.s32 $0x89600, s4;
	_ =	strace $0x8000004D;
	s6 =	sshll.u32 s5, $0x8  }
0x5: {  	s7 =	sshll.u32 s5, $0xF;
	s8 =	ssub.s32 $0x2, s5;
	s6 =	sadd.s32 s6, s4  }
0x6: {  	s9 =	sadd.s32 s7, s4;
	s4 =	stileid.u32;
	s28 =	sshrl.u32 s8, $0x1  }
0x7: {  	s10 =	sshll.u32 s5, $0x4;
	s7 =	ssub.s32 s8, s28;
	s29 =	sshll.u32 s4, $0x4  }
0x8: {  	s31 =	sshll.u32 s4, $0xB;
	s10 =	sor.u32 s10, s4;
	s30 =	sadd.s32 s29, s6  }
0x9: {  	s5 =	smax.u32 s7, $0x1;
	s9 =	sadd.s32 s31, s9;
	s6 =	sadd.s32 $0xC800, s30  }
0xa: {  	s7 =	sadd.s32 $0x7800, s30;
	s8 =	sadd.s32 $0x78D400, s9;
	s9 =	sadd.s32 $0xB0800, s9  }
.LBB2_1:
0xb: {  	p0 =	sgt.u32 s10, $0x4E1  }
0xc: {  	s11 =	sadd.s32 @!p0 $0x0, s7;
	s12 =	simm.s32 @!p0 $0x0;
	s15 =	simm.s32 @!p0 $0x4  }
0xd: {  	[tilespmem:s12], [sflag:$0x4] =	stream.linear.gather @!p0 [hbm4b:s11+s12], $0x80, $0x38;
	[tilespmem:$0x8100] =	vst v63  }
0xe: {  	_ =	swait.ge @!p0 [sflag:s15], $0x80;
	p0 =	por p0, p0  }
0xf: {  	[sflag:s15] =	ssyncset.done @!p0 $0x0  }
0x10: {  	s11 =	sadd.s32 @!p0 $0x0, s6;
	s13 =	simm.s32 @!p0 $0x80;
	[sflag:s15] =	ssyncadd.s32 @!p0 $0xFFFFFF80  }
0x11: {  	[tilespmem:s13], [sflag:$0x4] =	stream.linear.gather @!p0 [hbm4b:s11+s12], $0x80, $0x38;
	[tilespmem:$0x8100] =	vst v63  }
0x12: {  	_ =	swait.ge @!p0 [sflag:s15], $0x80  }
0x13: {  	[sflag:s15] =	ssyncset.done @!p0 $0x0  }
0x14: {  	s11 =	simm.s32 @!p0 $0x100;
	[sflag:s15] =	ssyncadd.s32 @!p0 $0xFFFFFF80  }
0x15: {  	[tilespmem:s11], [sflag:$0x1] =	stream.indirect.gather @!p0 [hbm4b:s2+s13], $0x80, s12, s13, $0xb8;
	[tilespmem:$0x8100] =	vst v63  }
0x16: {  	s16 =	simm.s32 @!p0 $0x4100;
	s14 =	simm.s32 @!p0 $0x1  }
0x17: {  	[tilespmem:s16], [sflag:$0x2] =	stream.indirect.gather @!p0 [hbm4b:s3+s13], $0x80, s13, s13, $0xb8;
	[tilespmem:$0x8100] =	vst v63  }
0x18: {  	_ =	swait.ge @!p0 [sflag:s14], $0x4000  }
0x19: {  	[sflag:s14] =	ssyncset.done @!p0 $0x0  }
0x1a: {  	s13 =	simm.s32 @!p0 $0x2;
	[sflag:s14] =	ssyncadd.s32 @!p0 $0xFFFFC000  }
0x1b: {  	_ =	swait.ge @!p0 [sflag:s13], $0x4000  }
0x1c: {  	[sflag:s13] =	ssyncset.done @!p0 $0x0  }
0x1d: {  	[sflag:s13] =	ssyncadd.s32 @!p0 $0xFFFFC000  }
0x1e: {  	[hbm4b:s9+s12] =	stream.linear.scatter @!p0 [tilespmem:s11], [sflag:$0x4], $0x4000, $0x38;
	[tilespmem:$0x8100] =	vst v63  }
0x1f: {  	_ =	swait.ge @!p0 [sflag:s15], $0x4000  }
0x20: {  	[sflag:s15] =	ssyncset.done @!p0 $0x0  }
0x21: {  	s14 =	simm.s32 $0x400;
	s13 =	simm.s32 $0x200;
	[sflag:s15] =	ssyncadd.s32 @!p0 $0xFFFFC000  }
0x22: {  	[hbm4b:s8+s12] =	stream.linear.scatter @!p0 [tilespmem:s16], [sflag:$0x3], $0x4000, $0x38;
	[tilespmem:$0x8100] =	vst v63  }
0x23: {  	s11 =	sadd.s32 $0x10000, s9;
	s15 =	sadd.s32 $0x20, s10;
	s16 =	simm.s32 @!p0 $0x3  }
0x24: {  	p2 =	sgt.u32 s15, $0x4E1;
	s12 =	sadd.s32 $0x10000, s8;
	_ =	swait.ge @!p0 [sflag:s16], $0x4000  }
.LBB2_2:
0x25: {  	s17 =	sadd.s32 @!p2 s13, s7  }
0x26: {  	s18 =	simm.s32 @!p2 $0x0;
	[sflag:s16] =	ssyncset.done @!p0 $0x0;
	s19 =	smov.u32 s14  }
0x27: {  	s14 =	sadd.s32 $0x200, s14;
	s20 =	simm.s32 @!p2 $0x4;
	[sflag:s16] =	ssyncadd.s32 @!p0 $0xFFFFC000  }
0x28: {  	[tilespmem:s18], [sflag:$0x4] =	stream.linear.gather @!p2 [hbm4b:s17+s18], $0x80, $0x38;
	[tilespmem:$0x8100] =	vst v63  }
0x29: {  	p1 =	sne.s32 s14, $0x5000;
	p0 =	por p2, p2;
	_ =	swait.ge @!p2 [sflag:s20], $0x80  }
0x2a: {  	[sflag:s20] =	ssyncset.done @!p0 $0x0  }
0x2b: {  	s13 =	sadd.s32 @!p0 s13, s6;
	s16 =	simm.s32 @!p0 $0x80;
	[sflag:s20] =	ssyncadd.s32 @!p0 $0xFFFFFF80  }
0x2c: {  	[tilespmem:s16], [sflag:$0x4] =	stream.linear.gather @!p0 [hbm4b:s13+s18], $0x80, $0x38;
	[tilespmem:$0x8100] =	vst v63  }
0x2d: {  	s13 =	smov.u32 s19;
	_ =	swait.ge @!p0 [sflag:s20], $0x80  }
0x2e: {  	[sflag:s20] =	ssyncset.done @!p0 $0x0  }
0x2f: {  	s17 =	simm.s32 @!p0 $0x100;
	[sflag:s20] =	ssyncadd.s32 @!p0 $0xFFFFFF80  }
0x30: {  	[tilespmem:s17], [sflag:$0x1] =	stream.indirect.gather @!p0 [hbm4b:s2+s16], $0x80, s18, s16, $0xb8;
	[tilespmem:$0x8100] =	vst v63  }
0x31: {  	s21 =	simm.s32 @!p0 $0x1;
	s19 =	simm.s32 @!p0 $0x4100  }
0x32: {  	[tilespmem:s19], [sflag:$0x2] =	stream.indirect.gather @!p0 [hbm4b:s3+s16], $0x80, s16, s16, $0xb8;
	[tilespmem:$0x8100] =	vst v63  }
0x33: {  	_ =	swait.ge @!p0 [sflag:s21], $0x4000  }
0x34: {  	[sflag:s21] =	ssyncset.done @!p0 $0x0  }
0x35: {  	s16 =	simm.s32 @!p0 $0x2;
	[sflag:s21] =	ssyncadd.s32 @!p0 $0xFFFFC000  }
0x36: {  	_ =	swait.ge @!p0 [sflag:s16], $0x4000  }
0x37: {  	[sflag:s16] =	ssyncset.done @!p0 $0x0  }
0x38: {  	[sflag:s16] =	ssyncadd.s32 @!p0 $0xFFFFC000  }
0x39: {  	[hbm4b:s11+s18] =	stream.linear.scatter @!p0 [tilespmem:s17], [sflag:$0x4], $0x4000, $0x38;
	[tilespmem:$0x8100] =	vst v63  }
.Ltmp0:
0x3a: {  	_ =	swait.ge @!p0 [sflag:s20], $0x4000;
	(pc) =	sbr.rel @p1 .LBB2_2-.Ltmp0, $4  }
0x3b: {  	s11 =	sadd.s32 $0x10000, s11;
	[sflag:s20] =	ssyncset.done @!p0 $0x0  }
0x3c: {  	s15 =	sadd.s32 $0x20, s15;
	s16 =	simm.s32 @!p0 $0x3;
	[sflag:s20] =	ssyncadd.s32 @!p0 $0xFFFFC000  }
0x3d: {  	[hbm4b:s12+s18] =	stream.linear.scatter @!p0 [tilespmem:s19], [sflag:$0x3], $0x4000, $0x38;
	[tilespmem:$0x8100] =	vst v63  }
0x3e: {  	p2 =	sgt.u32 s15, $0x4E1;
	s12 =	sadd.s32 $0x10000, s12;
	_ =	swait.ge @!p0 [sflag:s16], $0x4000  }
0x3f: {  	s14 =	sadd.s32 @!p2 s13, s7;
	[sflag:s16] =	ssyncset.done @!p0 $0x0  }
0x40: {  	s15 =	simm.s32 @!p2 $0x0;
	s17 =	simm.s32 @!p2 $0x4;
	[sflag:s16] =	ssyncadd.s32 @!p0 $0xFFFFC000  }
0x41: {  	[tilespmem:s15], [sflag:$0x4] =	stream.linear.gather @!p2 [hbm4b:s14+s15], $0x80, $0x38;
	[tilespmem:$0x8100] =	vst v63  }
0x42: {  	p0 =	por p2, p2;
	_ =	swait.ge @!p2 [sflag:s17], $0x80  }
0x43: {  	[sflag:s17] =	ssyncset.done @!p0 $0x0  }
0x44: {  	s13 =	sadd.s32 @!p0 s13, s6;
	s14 =	simm.s32 @!p0 $0x80;
	[sflag:s17] =	ssyncadd.s32 @!p0 $0xFFFFFF80  }
0x45: {  	[tilespmem:s14], [sflag:$0x4] =	stream.linear.gather @!p0 [hbm4b:s13+s15], $0x80, $0x38;
	[tilespmem:$0x8100] =	vst v63  }
0x46: {  	_ =	swait.ge @!p0 [sflag:s17], $0x80  }
0x47: {  	[sflag:s17] =	ssyncset.done @!p0 $0x0  }
0x48: {  	s13 =	simm.s32 @!p0 $0x100;
	[sflag:s17] =	ssyncadd.s32 @!p0 $0xFFFFFF80  }
0x49: {  	[tilespmem:s13], [sflag:$0x1] =	stream.indirect.gather @!p0 [hbm4b:s2+s14], $0x80, s15, s14, $0xb8;
	[tilespmem:$0x8100] =	vst v63  }
0x4a: {  	s16 =	simm.s32 @!p0 $0x4100;
	s18 =	simm.s32 @!p0 $0x1  }
0x4b: {  	[tilespmem:s16], [sflag:$0x2] =	stream.indirect.gather @!p0 [hbm4b:s3+s14], $0x80, s14, s14, $0xb8;
	[tilespmem:$0x8100] =	vst v63  }
0x4c: {  	_ =	swait.ge @!p0 [sflag:s18], $0x4000  }
0x4d: {  	[sflag:s18] =	ssyncset.done @!p0 $0x0  }
0x4e: {  	s14 =	simm.s32 @!p0 $0x2;
	[sflag:s18] =	ssyncadd.s32 @!p0 $0xFFFFC000  }
0x4f: {  	_ =	swait.ge @!p0 [sflag:s14], $0x4000  }
0x50: {  	[sflag:s14] =	ssyncset.done @!p0 $0x0  }
0x51: {  	[sflag:s14] =	ssyncadd.s32 @!p0 $0xFFFFC000  }
0x52: {  	[hbm4b:s11+s15] =	stream.linear.scatter @!p0 [tilespmem:s13], [sflag:$0x4], $0x4000, $0x38;
	[tilespmem:$0x8100] =	vst v63  }
0x53: {  	s1 =	sadd.s32 $0x1, s1;
	_ =	swait.ge @!p0 [sflag:s17], $0x4000  }
0x54: {  	p1 =	sne.s32 s1, s5;
	[sflag:s17] =	ssyncset.done @!p0 $0x0  }
.Ltmp1:
0x55: {  	s11 =	simm.s32 @!p0 $0x3;
	[sflag:s17] =	ssyncadd.s32 @!p0 $0xFFFFC000;
	(pc) =	sbr.rel @p1 .LBB2_1-.Ltmp1, $4  }
0x56: {  	[hbm4b:s12+s15] =	stream.linear.scatter @!p0 [tilespmem:s16], [sflag:$0x3], $0x4000, $0x38;
	[tilespmem:$0x8100] =	vst v63  }
0x57: {  	_ =	swait.ge @!p0 [sflag:s11], $0x4000  }
0x58: {  	[sflag:s11] =	ssyncset.done @!p0 $0x0  }
0x59: {  	[sflag:s11] =	ssyncadd.s32 @!p0 $0xFFFFC000  }
0x5a: {  	_ =	sfence.sel $0x180000  }
0x5b: {  	[bflag:$0x0] =	sbarrier.arrive $0xFFFF  }
0x5c: {  	p0 =	sne.s32 s4, $0x0;
	_ =	strace $0x9000004D  }
0x5d: {  	s0 =	sadd.s32 @!p0 $0x100000, s0;
	[bflag:$0x2] =	sbarrier.arrive $0xFFFF  }
0x5e: {  	[sflag:s0] =	ssyncadd.tile.s32 @!p0 $0x1;
	_ =	shalt  }
.Lfunc_end2:
_tile_overlayer_lowered:
.L_overlay_start_2:
0x5f: {  	(tag) =	ssettag $0x2  }
0x60: {  	s0 =	rddreg [dreg:$0x0];
	s2 =	stileid.u32  }
0x61: {  	s1 =	rddreg [dreg:$0x1];
	p0 =	sne.s32 s2, $0x0  }
0x62: {  	s3 =	rddreg [dreg:$0x2];
	[bflag:$0x3] =	sbarrier.arrive $0xFFFF;
	s2 =	simm.s32 @!p0 $0x1C03  }
0x63: {  	[timem:s3], [sflag:s2] =	dma.local @!p0 [hbm:s0], s1  }
0x64: {  	s0 =	simm.s32 @!p0 $0x3  }
0x65: {  	_ =	swait.ge @!p0 [sflag:s0], s1  }
0x66: {  	s1 =	ssub.s32 @!p0 $0x0, s1;
	[sflag:s0] =	ssyncset.done @!p0 $0x0  }
0x67: {  	[sflag:s0] =	ssyncadd.s32 @!p0 s1  }
0x68: {  	[bflag:$0x3] =	sbarrier.arrive $0xFFFF  }
0x69: {  	_ =	shalt  }

// kernel: kernel.21.cloned.1.call-start
scs
__scs_entry_jumppad:
0x0: {  	(pc) =	sbr.rel $0x88, $3  }
0x1: {  	(tag) =	ssettag $0x0;
	lr =	simm.s32 $0x1  }
0x2: {  	[smem:$0x3F92] =	sst lr;
	_ =	strace $0xD0000000  }
0x3: {  	_ = 	snop  }
0x4: {  	_ = 	snop  }
0x5: {  	_ = 	snop  }
0x6: {  	_ = 	snop  }
0x7: {  	_ = 	snop  }
__scs_overlays_trampoline_lowered:
0x8: {  	[smem:$0x3FA1] =	sst s0  }
0x9: {  	[smem:$0x3FA2] =	sst s1  }
0xa: {  	[smem:$0x3FA3] =	sst s2  }
0xb: {  	[smem:$0x3FA4] =	sst s3  }
0xc: {  	[smem:$0x3FA5] =	sst s4  }
0xd: {  	[smem:$0x3FA6] =	sst s5  }
0xe: {  	[smem:$0x3FA7] =	sst s6  }
0xf: {  	[smem:$0x3FA8] =	sst s7  }
0x10: {  	[smem:$0x3FA9] =	sst s8  }
0x11: {  	[smem:$0x3FAA] =	sst s9;
	s0 =	simm.s32 @!p0 $0x0  }
0x12: {  	s1 =	sld [smem:$0x3F90];
	s0 =	simm.s32 @p0 $0x1  }
0x13: {  	[smem:$0x3FAB] =	sst s0;
	s0 =	simm.s32 @!p1 $0x0  }
0x14: {  	s2 =	sld [smem:$0x3F8F];
	s0 =	simm.s32 @p1 $0x1  }
0x15: {  	[smem:$0x3FAC] =	sst s0;
	s0 =	simm.s32 @!p2 $0x0  }
0x16: {  	s3 =	sld [smem:$0x3FDB];
	s0 =	simm.s32 @p2 $0x1  }
0x17: {  	s4 =	simm.s32 $0x1BF5;
	[smem:$0x3FAE] =	sst s0  }
0x18: {  	s0 =	sld [smem:$0x3F91];
	_ =	swait.ge [sflag:s4], $0x0  }
0x19: {  	s7 =	sld [smem:$0x3F92]  }
0x1a: {  	s8 =	sadd.s32 $0xFFFFE003, lr  }
0x1b: {  	s9 =	sadd.s32 $0xFFFFFEF7, lr;
	s5 =	simm.s32 $0xFFFFFFFF;
	p2 =	slt.u32 s8, $0xFFFFF086  }
0x1c: {  	p1 =	slt.u32 s9, $0xF7A;
	s5 =	simm.s32 @!p2 $0x0  }
0x1d: {  	s5 =	simm.s32 @p1 $0x1;
	p0 =	seq.s32 s7, s2  }
0x1e: {  	s7 =	smul.u32 @!p0 $0xF7A, s2;
	p2 =	seq.s32 @!p0 s5, $0x0  }
0x1f: {  	s9 =	smul.u32 $0xF7A, s1;
	s8 =	simm.s32 @!p0 $0x1BF5;
	p2 =	por !p2, p0  }
0x20: {  	[sflag:s8] =	ssyncset.s32 @!p0 $0xFFFFF086;
	s6 =	sadd.s32 @!p0 s3, s7;
	s7 =	simm.s32 @!p0 $0x108  }
0x21: {  	s3 =	sadd.s32 s3, s9;
	s6 =	sadd.s32 @!p0 $0x88, s6;
	s7 =	simm.s32 @p2 $0x1082  }
0x22: {  	[simem:s7], [sflag:s8] =	dma.local @!p0 [hbm:s6], $0xF7A  }
0x23: {  	s9 =	sor.u32 $0xD0000000, s2;
	s6 =	simm.s32 $0x108;
	_ =	swait.ge @!p0 [sflag:s8], $0x0  }
0x24: {  	s3 =	sadd.s32 $0x88, s3;
	s6 =	simm.s32 @!p1 $0x1082;
	[sflag:s4] =	ssyncset.s32 $0xFFFFF086  }
0x25: {  	[simem:s6], [sflag:s4] =	dma.local [hbm:s3], $0xF7A  }
0x26: {  	[smem:$0x3F92] =	sst s1;
	(tag) =	ssettag s2;
	_ =	strace s9  }
0x27: {  	s1 =	sld [smem:$0x3FA2]  }
0x28: {  	s2 =	sld [smem:$0x3FA3]  }
0x29: {  	s4 =	sld [smem:$0x3FA5]  }
0x2a: {  	p0 =	seq.s32 s5, $0x0;
	s5 =	sld [smem:$0x3FA6]  }
0x2b: {  	s6 =	sld [smem:$0x3FA7]  }
0x2c: {  	s7 =	sld [smem:$0x3FA8]  }
0x2d: {  	s3 =	simm.s32 $0x108;
	s8 =	sld [smem:$0x3FA9]  }
0x2e: {  	s3 =	simm.s32 @!p0 $0x1082;
	s9 =	sld [smem:$0x3FAA]  }
0x2f: {  	lr =	sadd.s32 s0, s3;
	s0 =	sld [smem:$0x3FA1]  }
0x30: {  	s3 =	sld [smem:$0x3FA4]  }
0x31: {  	[smem:$0x3FAD] =	sst s10  }
0x32: {  	s10 =	sld [smem:$0x3FAB];
	_ =	sdelay $0x3  }
0x33: {  	p0 =	seq.s32 s10, $0x1;
	s10 =	sld [smem:$0x3FAD];
	_ =	sdelay $0x3  }
0x34: {  	[smem:$0x3FAD] =	sst s10  }
0x35: {  	s10 =	sld [smem:$0x3FAC];
	_ =	sdelay $0x3  }
0x36: {  	p1 =	seq.s32 s10, $0x1;
	s10 =	sld [smem:$0x3FAD];
	_ =	sdelay $0x3  }
0x37: {  	[smem:$0x3FAD] =	sst s10  }
0x38: {  	s10 =	sld [smem:$0x3FAE]  }
0x39: {  	_ = 	snop;
	(pc) =	sbr.ind lr, $3  }
0x3a: {  	_ = 	snop  }
0x3b: {  	_ = 	snop  }
0x3c: {  	p2 =	seq.s32 s10, $0x1;
	s10 =	sld [smem:$0x3FAD]  }
0x3d: {  	_ =	shalt  }
0x3e: {  	_ =	shalt  }
0x3f: {  	_ =	shalt  }
0x40: {  	_ =	shalt  }
0x41: {  	_ =	shalt  }
0x42: {  	_ =	shalt  }
0x43: {  	_ =	shalt  }
0x44: {  	_ =	shalt  }
0x45: {  	_ =	shalt  }
0x46: {  	_ =	shalt  }
0x47: {  	_ =	shalt  }
0x48: {  	_ =	shalt  }
0x49: {  	_ =	shalt  }
0x4a: {  	_ =	shalt  }
0x4b: {  	_ =	shalt  }
0x4c: {  	_ =	shalt  }
0x4d: {  	_ =	shalt  }
0x4e: {  	_ =	shalt  }
0x4f: {  	_ =	shalt  }
0x50: {  	_ =	shalt  }
0x51: {  	_ =	shalt  }
0x52: {  	_ =	shalt  }
0x53: {  	_ =	shalt  }
0x54: {  	_ =	shalt  }
0x55: {  	_ =	shalt  }
0x56: {  	_ =	shalt  }
0x57: {  	_ =	shalt  }
0x58: {  	_ =	shalt  }
0x59: {  	_ =	shalt  }
0x5a: {  	_ =	shalt  }
0x5b: {  	_ =	shalt  }
0x5c: {  	_ =	shalt  }
0x5d: {  	_ =	shalt  }
0x5e: {  	_ =	shalt  }
0x5f: {  	_ =	shalt  }
0x60: {  	_ =	shalt  }
0x61: {  	_ =	shalt  }
0x62: {  	_ =	shalt  }
0x63: {  	_ =	shalt  }
0x64: {  	_ =	shalt  }
0x65: {  	_ =	shalt  }
0x66: {  	_ =	shalt  }
0x67: {  	_ =	shalt  }
0x68: {  	_ =	shalt  }
0x69: {  	_ =	shalt  }
0x6a: {  	_ =	shalt  }
0x6b: {  	_ =	shalt  }
0x6c: {  	_ =	shalt  }
0x6d: {  	_ =	shalt  }
0x6e: {  	_ =	shalt  }
0x6f: {  	_ =	shalt  }
0x70: {  	_ =	shalt  }
0x71: {  	_ =	shalt  }
0x72: {  	_ =	shalt  }
0x73: {  	_ =	shalt  }
0x74: {  	_ =	shalt  }
0x75: {  	_ =	shalt  }
0x76: {  	_ =	shalt  }
0x77: {  	_ =	shalt  }
0x78: {  	_ =	shalt  }
0x79: {  	_ =	shalt  }
0x7a: {  	_ =	shalt  }
0x7b: {  	_ =	shalt  }
0x7c: {  	_ =	shalt  }
0x7d: {  	_ =	shalt  }
0x7e: {  	_ =	shalt  }
0x7f: {  	_ =	shalt  }
0x80: {  	_ =	shalt  }
0x81: {  	_ =	shalt  }
0x82: {  	_ =	shalt  }
0x83: {  	_ =	shalt  }
0x84: {  	_ =	shalt  }
0x85: {  	_ =	shalt  }
0x86: {  	_ =	shalt  }
0x87: {  	_ =	shalt  }
.Lfunc_end0:
.L_simem_size_0:
called_computation.3_lowered:
.L_overlay_start_0:
0x88: {  	s2 =	sld [smem:$0x3FD9]  }
0x89: {  	s3 =	sld [smem:$0x3FFE];
	_ =	sdelay $0x1  }
0x8a: {  	s1 =	srdreg.scid  }
0x8b: {  	s0 =	sand.u32 $0x1, s1  }
0x8c: {  	s17 =	sshll.u32 s0, $0xA;
	s2 =	sadd.s32 s3, s2  }
0x8d: {  	s2 =	sadd.s32 s2, s17  }
0x8e: {  	[smem:$0x3FB9] =	sst s2  }
0x8f: {  	_ = 	snop  }
0x90: {  	s2 =	sld [smem:$0x3FD0];
	(tm) =	ssettm $0x1  }
0x91: {  	s18 =	sld [smem:$0x3FFB];
	_ =	sdelay $0x3  }
0x92: {  	_ =	strace s18  }
0x93: {  	s3 =	sld [smem:$0x3FFC];
	_ =	sdelay $0x3  }
0x94: {  	_ =	strace s3  }
0x95: {  	s3 =	sld [smem:$0x3FFD];
	_ =	sdelay $0x3  }
0x96: {  	_ =	strace s3  }
0x97: {  	_ =	strace $0x8FFFFFFF  }
0x98: {  	s19 =	sld [smem:$0x3FDB];
	_ =	sdelay $0x1  }
0x99: {  	s4 =	simm.s32 $_scs_section_size  }
0x9a: {  	s5 =	simm.s32 $_size__tile_overlayer_lowered;
	s6 =	simm.s32 $_tile_overlayer_lowered  }
0x9b: {  	s22 =	simm.s32 $0x1BFF;
	s21 =	sshll.u32 s6, $0x1;
	s3 =	sadd.s32 s4, s19  }
0x9c: {  	s7 =	simm.s32 $0x0;
	s20 =	sshll.u32 s5, $0x1;
	s5 =	sadd.s32 s21, s3  }
0x9d: {  	[timem:s7], [sflag:s22] =	dma.local [hbm:s5], s20  }
0x9e: {  	_ =	swait.ge [sflag:s22], s20  }
0x9f: {  	s4 =	ssub.s32 $0x0, s20;
	[sflag:s22] =	ssyncset.done $0x0  }
0xa0: {  	[sflag:s22] =	ssyncadd.s32 s4;
	_ =	sdelay $0x1  }
0xa1: {  	s23 =	simm.s32 $0x1B8B  }
0xa2: {  	_ =	swait.ge [sflag:s23], $0x1  }
0xa3: {  	[sflag:s23] =	ssyncset.done $0x0  }
0xa4: {  	s25 =	simm.s32 $0x1B8E;
	s24 =	sld [smem:$0x3FFE];
	[sflag:s23] =	ssyncadd.s32 $0xFFFFFFFF  }
0xa5: {  	s26 =	simm.s32 $execute0_lowered;
	[smem:$0x3FD2] =	sst s25  }
0xa6: {  	s5 =	sshll.u32 s26, $0x1;
	_ =	strace $0x8000004F;
	[dreg:$0x1] =	wrdreg $0xFFFFFFFF  }
0xa7: {  	s28 =	simm.s32 $_size_execute0_lowered;
	s3 =	sadd.s32 s3, s5;
	[dreg:$0x0] =	wrdreg $0x0  }
0xa8: {  	s5 =	sshll.u32 s28, $0x1;
	[dreg:$0x2] =	wrdreg s3  }
0xa9: {  	[dreg:$0x3] =	wrdreg s5  }
0xaa: {  	[dreg:$0x4] =	wrdreg $0xC0  }
0xab: {  	_ =	task [dreg:s7], $0x5FFFF  }
0xac: {  	[dreg:$0x1] =	wrdreg $0xFFFFFFFF  }
0xad: {  	[dreg:$0x0] =	wrdreg $0x60  }
0xae: {  	[dreg:$0x2] =	wrdreg s24  }
0xaf: {  	[dreg:$0x3] =	wrdreg s2  }
0xb0: {  	[dreg:$0x4] =	wrdreg $0x0  }
0xb1: {  	[dreg:$0x5] =	wrdreg $0x9  }
0xb2: {  	_ =	task.clear_ibuf [dreg:s7], $0x6FFFF;
	_ =	strace $0x9000004F  }
0xb3: {  	s29 =	simm.s32 $0x9;
	_ =	strace $0x80000051  }
0xb4: {  	_ =	swait.ge [sflag:s29], $0x1  }
0xb5: {  	[sflag:s29] =	ssyncadd.s32 $0xFFFFFFFF  }
0xb6: {  	_ =	strace $0x90000051  }
0xb7: {  	_ =	sfence  }
0xb8: {  	s30 =	sld [smem:$0x0];
	_ =	sdelay $0x2  }
0xb9: {  	s31 =	sshll.u32 s1, $0xD;
	s1 =	sshrl.u32 s1, $0x2  }
0xba: {  	s3 =	sand.u32 $0x4000, s31;
	s1 =	sadd.s32 s1, s30  }
0xbb: {  	s0 =	sor.u32 s3, s0;
	s1 =	sshll.u32 s1, $0x11  }
0xbc: {  	s0 =	sor.u32 s1, s0  }
0xbd: {  	s0 =	sadd.s32 $0x8F2B, s0  }
0xbe: {  	[sflag:s0] =	ssyncadd.remote.s32 $0x1  }
0xbf: {  	_ =	sfence.sel $0xFFFF  }
0xc0: {  	[dreg:$0x0] =	wrdreg $0xFFFFFFFF;
	(pc) =	sbr.abs _section_cstart, $3  }
0xc1: {  	[dreg:$0x1] =	wrdreg $0xFFFFFFFF  }
0xc2: {  	_ =	task.clear_ibuf [dreg:s7], $0x2FFFF;
	_ =	strace $0x9FFFFFFF  }
0xc3: {  	(tm) =	ssettm $0x7FFFFFFF  }
tec
execute0_lowered:
.L_overlay_start_1:
0x0: {  	(tag) =	ssettag $0x1  }
0x1: {  	s4 =	rddreg [dreg:$0x0]  }
0x2: {  	s5 =	rddreg [dreg:$0x1]  }
0x3: {  	s1 =	rddreg [dreg:$0x2]  }
0x4: {  	s0 =	rddreg [dreg:$0x3];
	s3 =	srdreg.scid  }
0x5: {  	s2 =	simm.s32 $0x0;
	s6 =	sand.u32 $0x1, s3;
	s3 =	stileid.u32  }
0x6: {  	[smem:$0x7FF] =	sst s2;
	s12 =	sadd.s32 $0x62400, s4;
	s8 =	smul.u32 $0x50000, s3  }
0x7: {  	s17 =	sadd.s32 $0x12C000, s1;
	_ =	strace $0x80000050;
	s11 =	smul.u32 $0x2800, s3  }
0x8: {  	s7 =	sshll.u32 s6, $0xF;
	s22 =	sshll.u32 s6, $0x8;
	s13 =	smul.u32 $0x138800, s6  }
0x9: {  	s23 =	ssub.s32 $0x2, s6;
	s26 =	smul.u32 $0x14000, s3;
	s15 =	sshll.u32 s6, $0x4  }
0xa: {  	s30 =	sshll.u32 s3, $0x4;
	s31 =	sshll.u32 s3, $0xB;
	p0 =	seq.s32 s3, $0xF  }
0xb: {  	s10 =	sadd.s32 s7, s4;
	s9 =	sadd.s32 s22, s4;
	s24 =	sshrl.u32 s23, $0x1  }
0xc: {  	s14 =	ssub.s32 s23, s24;
	s25 =	sshrl.u32 s8, $0x2;
	s4 =	sadd.s32 s5, s11  }
0xd: {  	s28 =	sadd.s32 s26, s13;
	s29 =	sshrl.u32 s13, $0x3;
	s5 =	sadd.s32 $0x25800, s5  }
0xe: {  	s9 =	sadd.s32 s30, s9;
	s10 =	sadd.s32 s31, s10;
	s11 =	sor.u32 s15, s3  }
0xf: {  	s13 =	sshll.u32 @!p0 s3, $0x6;
	s16 =	sadd.s32 s25, s1;
	s6 =	sshrl.u32 s28, $0x3  }
0x10: {  	s7 =	sadd.s32 s12, s29;
	s8 =	smax.u32 s14, $0x1;
	s9 =	sadd.s32 $0xC800, s9  }
0x11: {  	s10 =	sadd.s32 $0x9FE400, s10;
	s13 =	sor.u32 @!p0 $0x1C01, s13;
	s6 =	sadd.s32 s12, s6  }
0x12: {  	s7 =	sadd.s32 $0x25800, s7;
	s12 =	sshrl.u32 @p0 s17, $0x3;
	s14 =	sshrl.u32 @!p0 s16, $0x3  }
.LBB2_1:
0x13: {  	s15 =	simm.s32 @p0 $0x1FC1  }
0x14: {  	[spmem:s12], [sflag:s15] =	dma.local @p0 [hbm:s5], $0x1900  }
0x15: {  	s15 =	simm.s32 @p0 $0x1  }
0x16: {  	_ =	swait.ge @p0 [sflag:s15], $0x1900  }
0x17: {  	[sflag:s15] =	ssyncset.done @p0 $0x0  }
0x18: {  	[sflag:s15] =	ssyncadd.s32 @p0 $0xFFFFE700;
	s15 =	simm.s32 @!p0 $0x1  }
0x19: {  	[spmem:s14], [sflag:s13] =	dma.local @!p0 [hbm:s4], $0x2800  }
0x1a: {  	s30 =	sadd.s32 $0x0, s11;
	_ =	swait.ge @!p0 [sflag:s15], $0x2800  }
0x1b: {  	p1 =	sgt.u32 s30, $0x4E1;
	[sflag:s15] =	ssyncset.done @!p0 $0x0  }
0x1c: {  	s17 =	simm.s32 @!p1 $0x13880;
	[sflag:s15] =	ssyncadd.s32 @!p0 $0xFFFFD800  }
0x1d: {  	s18 =	simm.s32 @!p1 $0x2;
	s15 =	simm.s32 @!p1 $0x0;
	[bflag:$0x0] =	sbarrier.arrive $0xFFFF  }
0x1e: {  	[tilespmem:s17], [sflag:$0x2] =	stream.linear.gather @!p1 [hbm4b:s9+s15], $0x80, $0x38;
	[tilespmem:$0x17900] =	vst v63  }
0x1f: {  	_ =	swait.ge @!p1 [sflag:s18], $0x80;
	p1 =	por p1, p1  }
0x20: {  	[sflag:s18] =	ssyncset.done @!p1 $0x0  }
0x21: {  	s19 =	simm.s32 @!p1 $0x13900;
	[sflag:s18] =	ssyncadd.s32 @!p1 $0xFFFFFF80  }
0x22: {  	[tilespmem:s19], [sflag:$0x2] =	stream.linear.gather @!p1 [hbm4b:s10+s15], $0x4000, $0x38;
	[tilespmem:$0x17900] =	vst v63  }
0x23: {  	s31 =	sadd.s32 $0x20, s11;
	_ =	swait.ge @!p1 [sflag:s18], $0x4000  }
0x24: {  	s16 =	simm.s32 $0x40;
	p2 =	sgt.u32 s31, $0x4E1;
	[sflag:s18] =	ssyncset.done @!p1 $0x0  }
0x25: {  	s15 =	simm.s32 @!p1 $0x80;
	[sflag:s18] =	ssyncadd.s32 @!p1 $0xFFFFC000;
	s18 =	simm.s32 @!p1 $0x1  }
0x26: {  	[spmem:s1] =	stream.indirect.scatter.add.f32 @!p1 [tilespmem:s19], [sflag:$0x1], $0x80, s17, s15, $0xb8;
	[tilespmem:$0x17900] =	vst v63  }
0x27: {  	s15 =	sadd.s32 $0x10000, s10;
	s17 =	sadd.s32 $0x200, s9;
	_ =	swait.ge @!p1 [sflag:s18], $0x4000  }
.LBB2_2:
0x28: {  	s19 =	simm.s32 @!p2 $0x0  }
0x29: {  	s20 =	simm.s32 @!p2 $0x13880;
	[sflag:s18] =	ssyncset.done @!p1 $0x0;
	s21 =	smov.u32 s16  }
0x2a: {  	s16 =	sadd.s32 $0x20, s16;
	s22 =	simm.s32 @!p2 $0x2;
	[sflag:s18] =	ssyncadd.s32 @!p1 $0xFFFFC000  }
0x2b: {  	[tilespmem:s20], [sflag:$0x2] =	stream.linear.gather @!p2 [hbm4b:s17+s19], $0x80, $0x38;
	[tilespmem:$0x17900] =	vst v63  }
0x2c: {  	p3 =	sne.s32 s16, $0x500;
	p1 =	por p2, p2;
	_ =	swait.ge @!p2 [sflag:s22], $0x80  }
0x2d: {  	[sflag:s22] =	ssyncset.done @!p1 $0x0  }
0x2e: {  	s23 =	simm.s32 @!p1 $0x13900;
	[sflag:s22] =	ssyncadd.s32 @!p1 $0xFFFFFF80  }
0x2f: {  	[tilespmem:s23], [sflag:$0x2] =	stream.linear.gather @!p1 [hbm4b:s15+s19], $0x4000, $0x38;
	[tilespmem:$0x17900] =	vst v63  }
.Ltmp0:
0x30: {  	_ =	swait.ge @!p1 [sflag:s22], $0x4000;
	(pc) =	sbr.rel @p3 .LBB2_2-.Ltmp0, $4  }
0x31: {  	s18 =	simm.s32 @!p1 $0x1;
	s15 =	sadd.s32 $0x10000, s15;
	[sflag:s22] =	ssyncset.done @!p1 $0x0  }
0x32: {  	s19 =	sadd.s32 s21, s11;
	s21 =	simm.s32 @!p1 $0x80;
	[sflag:s22] =	ssyncadd.s32 @!p1 $0xFFFFC000  }
0x33: {  	[spmem:s1] =	stream.indirect.scatter.add.f32 @!p1 [tilespmem:s23], [sflag:$0x1], $0x80, s20, s21, $0xb8;
	[tilespmem:$0x17900] =	vst v63  }
0x34: {  	s17 =	sadd.s32 $0x200, s17;
	p2 =	sgt.u32 s19, $0x4E1;
	_ =	swait.ge @!p1 [sflag:s18], $0x4000  }
0x35: {  	s16 =	simm.s32 @!p2 $0x0;
	[sflag:s18] =	ssyncset.done @!p1 $0x0  }
0x36: {  	s19 =	simm.s32 @!p2 $0x13880;
	s20 =	simm.s32 @!p2 $0x2;
	[sflag:s18] =	ssyncadd.s32 @!p1 $0xFFFFC000  }
0x37: {  	[tilespmem:s19], [sflag:$0x2] =	stream.linear.gather @!p2 [hbm4b:s17+s16], $0x80, $0x38;
	[tilespmem:$0x17900] =	vst v63  }
0x38: {  	p1 =	por p2, p2;
	_ =	swait.ge @!p2 [sflag:s20], $0x80  }
0x39: {  	[sflag:s20] =	ssyncset.done @!p1 $0x0  }
0x3a: {  	s17 =	simm.s32 @!p1 $0x13900;
	[sflag:s20] =	ssyncadd.s32 @!p1 $0xFFFFFF80  }
0x3b: {  	[tilespmem:s17], [sflag:$0x2] =	stream.linear.gather @!p1 [hbm4b:s15+s16], $0x4000, $0x38;
	[tilespmem:$0x17900] =	vst v63  }
0x3c: {  	_ =	swait.ge @!p1 [sflag:s20], $0x4000  }
0x3d: {  	[sflag:s20] =	ssyncset.done @!p1 $0x0  }
0x3e: {  	s15 =	simm.s32 @!p1 $0x1;
	s16 =	simm.s32 @!p1 $0x80;
	[sflag:s20] =	ssyncadd.s32 @!p1 $0xFFFFC000  }
0x3f: {  	[spmem:s1] =	stream.indirect.scatter.add.f32 @!p1 [tilespmem:s17], [sflag:$0x1], $0x80, s19, s16, $0xb8;
	[tilespmem:$0x17900] =	vst v63  }
0x40: {  	_ =	swait.ge @!p1 [sflag:s15], $0x4000  }
0x41: {  	[sflag:s15] =	ssyncset.done @!p1 $0x0  }
0x42: {  	[sflag:s15] =	ssyncadd.s32 @!p1 $0xFFFFC000  }
0x43: {  	s15 =	simm.s32 @p0 $0x1FC1;
	[bflag:$0x0] =	sbarrier.arrive $0xFFFF  }
0x44: {  	[hbm:s7], [sflag:s15] =	dma.local @p0 [spmem:s12], $0x1900  }
0x45: {  	s15 =	simm.s32 @p0 $0x1  }
0x46: {  	s2 =	sadd.s32 $0x1, s2;
	_ =	swait.ge @p0 [sflag:s15], $0x1900  }
0x47: {  	p1 =	sne.s32 s2, s8;
	[sflag:s15] =	ssyncset.done @p0 $0x0  }
.Ltmp1:
0x48: {  	[sflag:s15] =	ssyncadd.s32 @p0 $0xFFFFE700;
	s15 =	simm.s32 @!p0 $0x1;
	(pc) =	sbr.rel @p1 .LBB2_1-.Ltmp1, $4  }
0x49: {  	[hbm:s6], [sflag:s13] =	dma.local @!p0 [spmem:s14], $0x2800  }
0x4a: {  	_ =	swait.ge @!p0 [sflag:s15], $0x2800  }
0x4b: {  	[sflag:s15] =	ssyncset.done @!p0 $0x0  }
0x4c: {  	[sflag:s15] =	ssyncadd.s32 @!p0 $0xFFFFD800  }
0x4d: {  	_ =	sfence.sel $0x180000  }
0x4e: {  	[bflag:$0x0] =	sbarrier.arrive $0xFFFF  }
0x4f: {  	p0 =	sne.s32 s3, $0x0;
	_ =	strace $0x90000050  }
0x50: {  	s0 =	sadd.s32 @!p0 $0x100000, s0;
	[bflag:$0x2] =	sbarrier.arrive $0xFFFF  }
0x51: {  	[sflag:s0] =	ssyncadd.tile.s32 @!p0 $0x1;
	_ =	shalt  }
.Lfunc_end2:
_tile_overlayer_lowered:
.L_overlay_start_2:
0x52: {  	(tag) =	ssettag $0x2  }
0x53: {  	s0 =	rddreg [dreg:$0x0];
	s2 =	stileid.u32  }
0x54: {  	s1 =	rddreg [dreg:$0x1];
	p0 =	sne.s32 s2, $0x0  }
0x55: {  	s3 =	rddreg [dreg:$0x2];
	[bflag:$0x3] =	sbarrier.arrive $0xFFFF;
	s2 =	simm.s32 @!p0 $0x1C01  }
0x56: {  	[timem:s3], [sflag:s2] =	dma.local @!p0 [hbm:s0], s1  }
0x57: {  	s0 =	simm.s32 @!p0 $0x1  }
0x58: {  	_ =	swait.ge @!p0 [sflag:s0], s1  }
0x59: {  	s1 =	ssub.s32 @!p0 $0x0, s1;
	[sflag:s0] =	ssyncset.done @!p0 $0x0  }
0x5a: {  	[sflag:s0] =	ssyncadd.s32 @!p0 s1  }
0x5b: {  	[bflag:$0x3] =	sbarrier.arrive $0xFFFF  }
0x5c: {  	_ =	shalt  }

</sc_bundles>
